<compile_context>
chip_gen: v7x
topology: tpu7x:2x2x1
jax: 0.10.2.dev20260603
libtpu: 0.0.44.dev20260713+nightly
codegen_flags: <defaults>
</compile_context>

<pallas_src>
import jax
import jax.numpy as jnp
from jax import lax
from jax.experimental import pallas as pl
from jax.experimental.pallas import tpu as pltpu
from jax.experimental.pallas import tpu_sc as plsc

VOCAB, DIM, B, C, NEG = 1_000_000, 64, 16384, 20, 20
L = 16
NW = 2 * 16
BPW = B // NW
NB = 16
NCHUNK = BPW // NB
GROUPS = ((0, 128), (128, 128), (256, 64))
DK = DIM // L
TW = 16384
NTB = pl.cdiv(VOCAB, 2 * TW)
NOUT = NTB * TW


def _sc_body(u_tab, v_tab, u_pos, v_posf, v_negf,
             out_pos, out_neg,
             idx_u, idx_p, idx_n, rows_u, rows_p, rows_n,
             part_p, part_n, sem):
    cid = lax.axis_index("c")
    sid = lax.axis_index("s")
    wid = cid * 16 + sid

    def chunk_body(ch, carry):
        base = wid * BPW + ch * NB
        pltpu.sync_copy(u_pos.at[pl.ds(base, NB)], idx_u)
        pltpu.sync_copy(v_posf.at[pl.ds(base * C, NB * C)], idx_p)
        pltpu.sync_copy(v_negf.at[pl.ds(base * NEG, NB * NEG)], idx_n)
        cps = [pltpu.async_copy(u_tab.at[idx_u], rows_u, sem)]
        for so, ln in GROUPS:
            cps.append(pltpu.async_copy(
                v_tab.at[idx_p.at[pl.ds(so, ln)]],
                rows_p.at[pl.ds(so, ln)], sem))
            cps.append(pltpu.async_copy(
                v_tab.at[idx_n.at[pl.ds(so, ln)]],
                rows_n.at[pl.ds(so, ln)], sem))
        for cp in cps:
            cp.wait()

        def b_body(b, carry2):
            u = [rows_u[b, pl.ds(k * L, L)] for k in range(DK)]
            r0 = b * C
            accp = [rows_p[r0, pl.ds(k * L, L)] for k in range(DK)]
            for c in range(1, C):
                for k in range(DK):
                    accp[k] = accp[k] + rows_p[r0 + c, pl.ds(k * L, L)]
            tp = accp[0] * u[0]
            for k in range(1, DK):
                tp = tp + accp[k] * u[k]
            part_p[b, :] = tp
            r1 = b * NEG
            accn = [rows_n[r1, pl.ds(k * L, L)] for k in range(DK)]
            for c in range(1, NEG):
                for k in range(DK):
                    accn[k] = accn[k] + rows_n[r1 + c, pl.ds(k * L, L)]
            tn = accn[0] * u[0]
            for k in range(1, DK):
                tn = tn + accn[k] * u[k]
            part_n[b, :] = tn
            return carry2

        lax.fori_loop(0, NB, b_body, 0)
        pltpu.sync_copy(part_p, out_pos.at[pl.ds(base, NB)])
        pltpu.sync_copy(part_n, out_neg.at[pl.ds(base, NB)])
        return carry

    lax.fori_loop(0, NCHUNK, chunk_body, 0)


def _transpose_body(tlo_ref, thi_ref, tout_ref):
    tout_ref[...] = jnp.concatenate([tlo_ref[...].T, thi_ref[...].T],
                                    axis=1)


def _to_row_major(table_t):
    out = pl.pallas_call(
        _transpose_body,
        grid=(NTB,),
        in_specs=[pl.BlockSpec((DIM, TW), lambda j: (0, 2 * j)),
                  pl.BlockSpec((DIM, TW), lambda j: (0, 2 * j + 1))],
        out_specs=pl.BlockSpec((TW, 2 * DIM), lambda j: (j, 0)),
        out_shape=jax.ShapeDtypeStruct((NOUT, 2 * DIM), jnp.float32),
        compiler_params=pltpu.CompilerParams(
            vmem_limit_bytes=56 * 1024 * 1024),
    )(table_t, table_t)
    return out.reshape(2 * NOUT, DIM)


def _remap(idx):
    ib = idx >> 14
    io = idx & (TW - 1)
    return ((ib >> 1) << 15) + 2 * io + (ib & 1)


def _finish_body(pos_ref, neg_ref, out_ref):
    sp = jnp.sum(pos_ref[...], axis=1, keepdims=True)
    sn = jnp.sum(neg_ref[...], axis=1, keepdims=True)

    def log_sigmoid(x):
        return jnp.minimum(x, 0.0) - jnp.log1p(jnp.exp(-jnp.abs(x)))

    out_ref[0, 0] = -jnp.sum(log_sigmoid(sp) + log_sigmoid(-sn)) / B


def kernel(u_table, v_table, u_pos, v_pos, v_neg):
    u_pos = _remap(u_pos.astype(jnp.int32))
    v_posf = _remap(v_pos.astype(jnp.int32).reshape(B * C))
    v_negf = _remap(v_neg.astype(jnp.int32).reshape(B * NEG))
    u_rm = _to_row_major(u_table.T)
    v_rm = _to_row_major(v_table.T)

    sc = pl.kernel(
        _sc_body,
        out_type=(jax.ShapeDtypeStruct((B, L), jnp.float32),
                  jax.ShapeDtypeStruct((B, L), jnp.float32)),
        mesh=plsc.VectorSubcoreMesh(core_axis_name="c", subcore_axis_name="s"),
        scratch_types=[
            pltpu.VMEM((NB,), jnp.int32),
            pltpu.VMEM((NB * C,), jnp.int32),
            pltpu.VMEM((NB * NEG,), jnp.int32),
            pltpu.VMEM((NB, DIM), jnp.float32),
            pltpu.VMEM((NB * C, DIM), jnp.float32),
            pltpu.VMEM((NB * NEG, DIM), jnp.float32),
            pltpu.VMEM((NB, L), jnp.float32),
            pltpu.VMEM((NB, L), jnp.float32),
            pltpu.SemaphoreType.DMA,
        ],
        compiler_params=pltpu.CompilerParams(use_tc_tiling_on_sc=False),
    )
    part_pos, part_neg = sc(u_rm, v_rm, u_pos, v_posf, v_negf)

    loss = pl.pallas_call(
        _finish_body,
        out_shape=jax.ShapeDtypeStruct((1, 1), jnp.float32),
        out_specs=pl.BlockSpec(memory_space=pltpu.SMEM),
    )(part_pos, part_neg)
    return loss[0, 0]

# --- scband reference (transcript-rebuilt; emitter-appended) ---
"""Pipeline reference for scband-skipgram-44890998178409 (READ-ONLY COPY).

The authoritative reference and input builder live on the scoring server;
editing this copy changes nothing except your own understanding.
"""

import jax, jax.numpy as jnp
import numpy as np

VOCAB = 1000000
DIM = 64
B = 16384
C = 20
NEG = 20


def setup_inputs(seed: int = 0) -> dict:
    key = jax.random.key(seed)
    k1, k2, k3, k4, k5 = jax.random.split(key, 5)
    initrange = 0.5 / DIM
    u_table = jax.random.uniform(k1, (VOCAB, DIM), dtype=jnp.float32, minval=-initrange, maxval=initrange)
    v_table = jax.random.uniform(k2, (VOCAB, DIM), dtype=jnp.float32, minval=-initrange, maxval=initrange)
    u_pos = jax.random.randint(k3, (B,), 0, VOCAB, dtype=jnp.int64) if jax.config.jax_enable_x64 else jax.random.randint(k3, (B,), 0, VOCAB).astype(jnp.int32)
    v_pos = jax.random.randint(k4, (B, C), 0, VOCAB).astype(u_pos.dtype)
    v_neg = jax.random.randint(k5, (B, NEG), 0, VOCAB).astype(u_pos.dtype)
    return {"u_table": u_table, "v_table": v_table, "u_pos": u_pos, "v_pos": v_pos, "v_neg": v_neg}


def reference(u_table, v_table, u_pos, v_pos, v_neg):
    # Embedding lookups (gather)
    embed_u = jnp.take(u_table, u_pos, axis=0)          # [B, D]
    embed_v = jnp.take(v_table, v_pos, axis=0)          # [B, C, D]
    embed_neg_v = jnp.take(v_table, v_neg, axis=0)      # [B, NEG, D]
    # bmm(embed_v, embed_u.unsqueeze(2)).squeeze() -> [B, C]
    score_pos = jnp.einsum('bcd,bd->bc', embed_v, embed_u)
    score_neg = jnp.einsum('bnd,bd->bn', embed_neg_v, embed_u)
    score_pos = jax.nn.log_sigmoid(score_pos.sum(axis=1))
    score_neg = jax.nn.log_sigmoid(-score_neg.sum(axis=1))
    return -jnp.mean(score_pos + score_neg)

if __name__ == "__main__":
    import jax
    _d = setup_inputs()
    print(jax.jit(kernel)(*tuple(_d.values())))

</pallas_src>

<mosaic_0001>
#map = affine_map<(d0, d1) -> (0, 0)>
#map1 = affine_map<(d0, d1) -> (0)>
module attributes {stable_mosaic.version = 14 : i64} {
  func.func @_sc_body(%arg0: i32, %arg1: i32, %arg2: memref<1015808x64xf32, #tpu.memory_space<hbm>>, %arg3: memref<1015808x64xf32, #tpu.memory_space<hbm>>, %arg4: memref<16384xi32, #tpu.memory_space<hbm>>, %arg5: memref<327680xi32, #tpu.memory_space<hbm>>, %arg6: memref<327680xi32, #tpu.memory_space<hbm>>, %arg7: memref<16384x16xf32, #tpu.memory_space<hbm>>, %arg8: memref<16384x16xf32, #tpu.memory_space<hbm>>, %arg9: memref<16xi32, #tpu.memory_space<vmem>>, %arg10: memref<320xi32, #tpu.memory_space<vmem>>, %arg11: memref<320xi32, #tpu.memory_space<vmem>>, %arg12: memref<16x64xf32, #tpu.memory_space<vmem>>, %arg13: memref<320x64xf32, #tpu.memory_space<vmem>>, %arg14: memref<320x64xf32, #tpu.memory_space<vmem>>, %arg15: memref<16x16xf32, #tpu.memory_space<vmem>>, %arg16: memref<16x16xf32, #tpu.memory_space<vmem>>, %arg17: memref<!tpu.dma_semaphore, #tpu.memory_space<semaphore_mem>>) attributes {dimension_semantics = [#tpu.dimension_semantics<core_parallel>, #tpu.dimension_semantics<subcore_parallel>], iteration_bounds = array<i64: 2, 16>, scalar_prefetch = 0 : i64, scratch_operands = 9 : i64, tpu.core_type = #tpu.core_type<sc_vector_subcore>, window_params = [{transform_indices = #map}, {transform_indices = #map}, {transform_indices = #map1}, {transform_indices = #map1}, {transform_indices = #map1}, {transform_indices = #map}, {transform_indices = #map}]} {
    %mul3A = arith.constant 16 : i32
    %mul3A_0 = arith.muli %arg0, %mul3A : i32
    %add3A = arith.addi %mul3A_0, %arg1 : i32
    %scan3A = arith.constant 0 : i32
    %scan3A_1 = arith.constant 0 : i32
    %scan3A_2 = arith.constant 32 : i32
    %scan3A_3 = arith.addi %scan3A_1, %scan3A_2 : i32
    %scan3A_4 = arith.constant 1 : i32
    scf.for %scan3A_6 = %scan3A_1 to %scan3A_3 step %scan3A_4  : i32 {
      %mul3A_7 = arith.constant 512 : i32
      %mul3A_8 = arith.muli %add3A, %mul3A_7 : i32
      %mul3A_9 = arith.constant 16 : i32
      %mul3A_10 = arith.muli %scan3A_6, %mul3A_9 : i32
      %add3A_11 = arith.addi %mul3A_8, %mul3A_10 : i32
      "tpu.region"() ({
        %run_scoped3A = tpu.sem_alloc : memref<!tpu.dma_semaphore, #tpu.memory_space<semaphore_mem>>
        %dma_start3A_122 = tpu.memref_slice %arg4[%add3A_11] : memref<16384xi32, #tpu.memory_space<hbm>> -> memref<16xi32, #tpu.memory_space<hbm>>
        %dma_start3A_123 = tpu.memref_slice %arg4[%add3A_11] : memref<16384xi32, #tpu.memory_space<hbm>> -> memref<16xi32, #tpu.memory_space<hbm>>
        tpu.enqueue_dma source(%dma_start3A_123 : memref<16xi32, #tpu.memory_space<hbm>>) target(%arg9 : memref<16xi32, #tpu.memory_space<vmem>>) target_semaphore(%run_scoped3A : memref<!tpu.dma_semaphore, #tpu.memory_space<semaphore_mem>>)
        %dma_wait3A_124 = tpu.memref_slice %arg4[%add3A_11] : memref<16384xi32, #tpu.memory_space<hbm>> -> memref<16xi32, #tpu.memory_space<hbm>>
        %dma_wait3A_125 = tpu.memref_slice %arg4[%add3A_11] : memref<16384xi32, #tpu.memory_space<hbm>> -> memref<16xi32, #tpu.memory_space<hbm>>
        tpu.wait_dma2 semaphore(%run_scoped3A : memref<!tpu.dma_semaphore, #tpu.memory_space<semaphore_mem>>) src(%dma_wait3A_125 : memref<16xi32, #tpu.memory_space<hbm>>) dst(%arg9 : memref<16xi32, #tpu.memory_space<vmem>>)
        tpu.yield
      }) : () -> ()
      %mul3A_12 = arith.constant 20 : i32
      %mul3A_13 = arith.muli %add3A_11, %mul3A_12 : i32
      "tpu.region"() ({
        %run_scoped3A = tpu.sem_alloc : memref<!tpu.dma_semaphore, #tpu.memory_space<semaphore_mem>>
        %dma_start3A_122 = tpu.memref_slice %arg5[%mul3A_13] : memref<327680xi32, #tpu.memory_space<hbm>> -> memref<320xi32, #tpu.memory_space<hbm>>
        %dma_start3A_123 = tpu.memref_slice %arg5[%mul3A_13] : memref<327680xi32, #tpu.memory_space<hbm>> -> memref<320xi32, #tpu.memory_space<hbm>>
        tpu.enqueue_dma source(%dma_start3A_123 : memref<320xi32, #tpu.memory_space<hbm>>) target(%arg10 : memref<320xi32, #tpu.memory_space<vmem>>) target_semaphore(%run_scoped3A : memref<!tpu.dma_semaphore, #tpu.memory_space<semaphore_mem>>)
        %dma_wait3A_124 = tpu.memref_slice %arg5[%mul3A_13] : memref<327680xi32, #tpu.memory_space<hbm>> -> memref<320xi32, #tpu.memory_space<hbm>>
        %dma_wait3A_125 = tpu.memref_slice %arg5[%mul3A_13] : memref<327680xi32, #tpu.memory_space<hbm>> -> memref<320xi32, #tpu.memory_space<hbm>>
        tpu.wait_dma2 semaphore(%run_scoped3A : memref<!tpu.dma_semaphore, #tpu.memory_space<semaphore_mem>>) src(%dma_wait3A_125 : memref<320xi32, #tpu.memory_space<hbm>>) dst(%arg10 : memref<320xi32, #tpu.memory_space<vmem>>)
        tpu.yield
      }) : () -> ()
      %mul3A_14 = arith.constant 20 : i32
      %mul3A_15 = arith.muli %add3A_11, %mul3A_14 : i32
      "tpu.region"() ({
        %run_scoped3A = tpu.sem_alloc : memref<!tpu.dma_semaphore, #tpu.memory_space<semaphore_mem>>
        %dma_start3A_122 = tpu.memref_slice %arg6[%mul3A_15] : memref<327680xi32, #tpu.memory_space<hbm>> -> memref<320xi32, #tpu.memory_space<hbm>>
        %dma_start3A_123 = tpu.memref_slice %arg6[%mul3A_15] : memref<327680xi32, #tpu.memory_space<hbm>> -> memref<320xi32, #tpu.memory_space<hbm>>
        tpu.enqueue_dma source(%dma_start3A_123 : memref<320xi32, #tpu.memory_space<hbm>>) target(%arg11 : memref<320xi32, #tpu.memory_space<vmem>>) target_semaphore(%run_scoped3A : memref<!tpu.dma_semaphore, #tpu.memory_space<semaphore_mem>>)
        %dma_wait3A_124 = tpu.memref_slice %arg6[%mul3A_15] : memref<327680xi32, #tpu.memory_space<hbm>> -> memref<320xi32, #tpu.memory_space<hbm>>
        %dma_wait3A_125 = tpu.memref_slice %arg6[%mul3A_15] : memref<327680xi32, #tpu.memory_space<hbm>> -> memref<320xi32, #tpu.memory_space<hbm>>
        tpu.wait_dma2 semaphore(%run_scoped3A : memref<!tpu.dma_semaphore, #tpu.memory_space<semaphore_mem>>) src(%dma_wait3A_125 : memref<320xi32, #tpu.memory_space<hbm>>) dst(%arg11 : memref<320xi32, #tpu.memory_space<vmem>>)
        tpu.yield
      }) : () -> ()
      %dma_start3A = arith.constant 0 : i32
      %dma_start3A_16 = arith.constant 0 : i32
      %dma_start3A_17 = tpu.memref_slice %arg2[%dma_start3A, %dma_start3A_16] : memref<1015808x64xf32, #tpu.memory_space<hbm>> -> memref<1015808x64xf32, #tpu.memory_space<hbm>>
      tpu.enqueue_indirect_dma source(%dma_start3A_17 : memref<1015808x64xf32, #tpu.memory_space<hbm>>) target(%arg12 : memref<16x64xf32, #tpu.memory_space<vmem>>) offsets(%arg9 : memref<16xi32, #tpu.memory_space<vmem>>) semaphore(%arg17 : memref<!tpu.dma_semaphore, #tpu.memory_space<semaphore_mem>>)
      %dma_start3A_18 = arith.constant 0 : i32
      %dma_start3A_19 = arith.constant 0 : i32
      %dma_start3A_20 = tpu.memref_slice %arg13[%dma_start3A_18, %dma_start3A_19] : memref<320x64xf32, #tpu.memory_space<vmem>> -> memref<128x64xf32, #tpu.memory_space<vmem>>
      %dma_start3A_21 = arith.constant 0 : i32
      %dma_start3A_22 = tpu.memref_slice %arg10[%dma_start3A_21] : memref<320xi32, #tpu.memory_space<vmem>> -> memref<128xi32, #tpu.memory_space<vmem>>
      %dma_start3A_23 = arith.constant 0 : i32
      %dma_start3A_24 = arith.constant 0 : i32
      %dma_start3A_25 = tpu.memref_slice %arg3[%dma_start3A_23, %dma_start3A_24] : memref<1015808x64xf32, #tpu.memory_space<hbm>> -> memref<1015808x64xf32, #tpu.memory_space<hbm>>
      tpu.enqueue_indirect_dma source(%dma_start3A_25 : memref<1015808x64xf32, #tpu.memory_space<hbm>>) target(%dma_start3A_20 : memref<128x64xf32, #tpu.memory_space<vmem>>) offsets(%dma_start3A_22 : memref<128xi32, #tpu.memory_space<vmem>>) semaphore(%arg17 : memref<!tpu.dma_semaphore, #tpu.memory_space<semaphore_mem>>)
      %dma_start3A_26 = arith.constant 0 : i32
      %dma_start3A_27 = arith.constant 0 : i32
      %dma_start3A_28 = tpu.memref_slice %arg14[%dma_start3A_26, %dma_start3A_27] : memref<320x64xf32, #tpu.memory_space<vmem>> -> memref<128x64xf32, #tpu.memory_space<vmem>>
      %dma_start3A_29 = arith.constant 0 : i32
      %dma_start3A_30 = tpu.memref_slice %arg11[%dma_start3A_29] : memref<320xi32, #tpu.memory_space<vmem>> -> memref<128xi32, #tpu.memory_space<vmem>>
      %dma_start3A_31 = arith.constant 0 : i32
      %dma_start3A_32 = arith.constant 0 : i32
      %dma_start3A_33 = tpu.memref_slice %arg3[%dma_start3A_31, %dma_start3A_32] : memref<1015808x64xf32, #tpu.memory_space<hbm>> -> memref<1015808x64xf32, #tpu.memory_space<hbm>>
      tpu.enqueue_indirect_dma source(%dma_start3A_33 : memref<1015808x64xf32, #tpu.memory_space<hbm>>) target(%dma_start3A_28 : memref<128x64xf32, #tpu.memory_space<vmem>>) offsets(%dma_start3A_30 : memref<128xi32, #tpu.memory_space<vmem>>) semaphore(%arg17 : memref<!tpu.dma_semaphore, #tpu.memory_space<semaphore_mem>>)
      %dma_start3A_34 = arith.constant 128 : i32
      %dma_start3A_35 = arith.constant 0 : i32
      %dma_start3A_36 = tpu.memref_slice %arg13[%dma_start3A_34, %dma_start3A_35] : memref<320x64xf32, #tpu.memory_space<vmem>> -> memref<128x64xf32, #tpu.memory_space<vmem>>
      %dma_start3A_37 = arith.constant 128 : i32
      %dma_start3A_38 = tpu.memref_slice %arg10[%dma_start3A_37] : memref<320xi32, #tpu.memory_space<vmem>> -> memref<128xi32, #tpu.memory_space<vmem>>
      %dma_start3A_39 = arith.constant 0 : i32
      %dma_start3A_40 = arith.constant 0 : i32
      %dma_start3A_41 = tpu.memref_slice %arg3[%dma_start3A_39, %dma_start3A_40] : memref<1015808x64xf32, #tpu.memory_space<hbm>> -> memref<1015808x64xf32, #tpu.memory_space<hbm>>
      tpu.enqueue_indirect_dma source(%dma_start3A_41 : memref<1015808x64xf32, #tpu.memory_space<hbm>>) target(%dma_start3A_36 : memref<128x64xf32, #tpu.memory_space<vmem>>) offsets(%dma_start3A_38 : memref<128xi32, #tpu.memory_space<vmem>>) semaphore(%arg17 : memref<!tpu.dma_semaphore, #tpu.memory_space<semaphore_mem>>)
      %dma_start3A_42 = arith.constant 128 : i32
      %dma_start3A_43 = arith.constant 0 : i32
      %dma_start3A_44 = tpu.memref_slice %arg14[%dma_start3A_42, %dma_start3A_43] : memref<320x64xf32, #tpu.memory_space<vmem>> -> memref<128x64xf32, #tpu.memory_space<vmem>>
      %dma_start3A_45 = arith.constant 128 : i32
      %dma_start3A_46 = tpu.memref_slice %arg11[%dma_start3A_45] : memref<320xi32, #tpu.memory_space<vmem>> -> memref<128xi32, #tpu.memory_space<vmem>>
      %dma_start3A_47 = arith.constant 0 : i32
      %dma_start3A_48 = arith.constant 0 : i32
      %dma_start3A_49 = tpu.memref_slice %arg3[%dma_start3A_47, %dma_start3A_48] : memref<1015808x64xf32, #tpu.memory_space<hbm>> -> memref<1015808x64xf32, #tpu.memory_space<hbm>>
      tpu.enqueue_indirect_dma source(%dma_start3A_49 : memref<1015808x64xf32, #tpu.memory_space<hbm>>) target(%dma_start3A_44 : memref<128x64xf32, #tpu.memory_space<vmem>>) offsets(%dma_start3A_46 : memref<128xi32, #tpu.memory_space<vmem>>) semaphore(%arg17 : memref<!tpu.dma_semaphore, #tpu.memory_space<semaphore_mem>>)
      %dma_start3A_50 = arith.constant 256 : i32
      %dma_start3A_51 = arith.constant 0 : i32
      %dma_start3A_52 = tpu.memref_slice %arg13[%dma_start3A_50, %dma_start3A_51] : memref<320x64xf32, #tpu.memory_space<vmem>> -> memref<64x64xf32, #tpu.memory_space<vmem>>
      %dma_start3A_53 = arith.constant 256 : i32
      %dma_start3A_54 = tpu.memref_slice %arg10[%dma_start3A_53] : memref<320xi32, #tpu.memory_space<vmem>> -> memref<64xi32, #tpu.memory_space<vmem>>
      %dma_start3A_55 = arith.constant 0 : i32
      %dma_start3A_56 = arith.constant 0 : i32
      %dma_start3A_57 = tpu.memref_slice %arg3[%dma_start3A_55, %dma_start3A_56] : memref<1015808x64xf32, #tpu.memory_space<hbm>> -> memref<1015808x64xf32, #tpu.memory_space<hbm>>
      tpu.enqueue_indirect_dma source(%dma_start3A_57 : memref<1015808x64xf32, #tpu.memory_space<hbm>>) target(%dma_start3A_52 : memref<64x64xf32, #tpu.memory_space<vmem>>) offsets(%dma_start3A_54 : memref<64xi32, #tpu.memory_space<vmem>>) semaphore(%arg17 : memref<!tpu.dma_semaphore, #tpu.memory_space<semaphore_mem>>)
      %dma_start3A_58 = arith.constant 256 : i32
      %dma_start3A_59 = arith.constant 0 : i32
      %dma_start3A_60 = tpu.memref_slice %arg14[%dma_start3A_58, %dma_start3A_59] : memref<320x64xf32, #tpu.memory_space<vmem>> -> memref<64x64xf32, #tpu.memory_space<vmem>>
      %dma_start3A_61 = arith.constant 256 : i32
      %dma_start3A_62 = tpu.memref_slice %arg11[%dma_start3A_61] : memref<320xi32, #tpu.memory_space<vmem>> -> memref<64xi32, #tpu.memory_space<vmem>>
      %dma_start3A_63 = arith.constant 0 : i32
      %dma_start3A_64 = arith.constant 0 : i32
      %dma_start3A_65 = tpu.memref_slice %arg3[%dma_start3A_63, %dma_start3A_64] : memref<1015808x64xf32, #tpu.memory_space<hbm>> -> memref<1015808x64xf32, #tpu.memory_space<hbm>>
      tpu.enqueue_indirect_dma source(%dma_start3A_65 : memref<1015808x64xf32, #tpu.memory_space<hbm>>) target(%dma_start3A_60 : memref<64x64xf32, #tpu.memory_space<vmem>>) offsets(%dma_start3A_62 : memref<64xi32, #tpu.memory_space<vmem>>) semaphore(%arg17 : memref<!tpu.dma_semaphore, #tpu.memory_space<semaphore_mem>>)
      %dma_wait3A = arith.constant 0 : i32
      %dma_wait3A_66 = arith.constant 0 : i32
      %dma_wait3A_67 = tpu.memref_slice %arg2[%dma_wait3A, %dma_wait3A_66] : memref<1015808x64xf32, #tpu.memory_space<hbm>> -> memref<1015808x64xf32, #tpu.memory_space<hbm>>
      tpu.wait_indirect_dma semaphore(%arg17 : memref<!tpu.dma_semaphore, #tpu.memory_space<semaphore_mem>>) src(%dma_wait3A_67 : memref<1015808x64xf32, #tpu.memory_space<hbm>>) dst(%arg12 : memref<16x64xf32, #tpu.memory_space<vmem>>)
      %dma_wait3A_68 = arith.constant 0 : i32
      %dma_wait3A_69 = arith.constant 0 : i32
      %dma_wait3A_70 = tpu.memref_slice %arg13[%dma_wait3A_68, %dma_wait3A_69] : memref<320x64xf32, #tpu.memory_space<vmem>> -> memref<128x64xf32, #tpu.memory_space<vmem>>
      %dma_wait3A_71 = arith.constant 0 : i32
      %dma_wait3A_72 = tpu.memref_slice %arg10[%dma_wait3A_71] : memref<320xi32, #tpu.memory_space<vmem>> -> memref<128xi32, #tpu.memory_space<vmem>>
      %dma_wait3A_73 = arith.constant 0 : i32
      %dma_wait3A_74 = arith.constant 0 : i32
      %dma_wait3A_75 = tpu.memref_slice %arg3[%dma_wait3A_73, %dma_wait3A_74] : memref<1015808x64xf32, #tpu.memory_space<hbm>> -> memref<1015808x64xf32, #tpu.memory_space<hbm>>
      tpu.wait_indirect_dma semaphore(%arg17 : memref<!tpu.dma_semaphore, #tpu.memory_space<semaphore_mem>>) src(%dma_wait3A_75 : memref<1015808x64xf32, #tpu.memory_space<hbm>>) dst(%dma_wait3A_70 : memref<128x64xf32, #tpu.memory_space<vmem>>)
      %dma_wait3A_76 = arith.constant 0 : i32
      %dma_wait3A_77 = arith.constant 0 : i32
      %dma_wait3A_78 = tpu.memref_slice %arg14[%dma_wait3A_76, %dma_wait3A_77] : memref<320x64xf32, #tpu.memory_space<vmem>> -> memref<128x64xf32, #tpu.memory_space<vmem>>
      %dma_wait3A_79 = arith.constant 0 : i32
      %dma_wait3A_80 = tpu.memref_slice %arg11[%dma_wait3A_79] : memref<320xi32, #tpu.memory_space<vmem>> -> memref<128xi32, #tpu.memory_space<vmem>>
      %dma_wait3A_81 = arith.constant 0 : i32
      %dma_wait3A_82 = arith.constant 0 : i32
      %dma_wait3A_83 = tpu.memref_slice %arg3[%dma_wait3A_81, %dma_wait3A_82] : memref<1015808x64xf32, #tpu.memory_space<hbm>> -> memref<1015808x64xf32, #tpu.memory_space<hbm>>
      tpu.wait_indirect_dma semaphore(%arg17 : memref<!tpu.dma_semaphore, #tpu.memory_space<semaphore_mem>>) src(%dma_wait3A_83 : memref<1015808x64xf32, #tpu.memory_space<hbm>>) dst(%dma_wait3A_78 : memref<128x64xf32, #tpu.memory_space<vmem>>)
      %dma_wait3A_84 = arith.constant 128 : i32
      %dma_wait3A_85 = arith.constant 0 : i32
      %dma_wait3A_86 = tpu.memref_slice %arg13[%dma_wait3A_84, %dma_wait3A_85] : memref<320x64xf32, #tpu.memory_space<vmem>> -> memref<128x64xf32, #tpu.memory_space<vmem>>
      %dma_wait3A_87 = arith.constant 128 : i32
      %dma_wait3A_88 = tpu.memref_slice %arg10[%dma_wait3A_87] : memref<320xi32, #tpu.memory_space<vmem>> -> memref<128xi32, #tpu.memory_space<vmem>>
      %dma_wait3A_89 = arith.constant 0 : i32
      %dma_wait3A_90 = arith.constant 0 : i32
      %dma_wait3A_91 = tpu.memref_slice %arg3[%dma_wait3A_89, %dma_wait3A_90] : memref<1015808x64xf32, #tpu.memory_space<hbm>> -> memref<1015808x64xf32, #tpu.memory_space<hbm>>
      tpu.wait_indirect_dma semaphore(%arg17 : memref<!tpu.dma_semaphore, #tpu.memory_space<semaphore_mem>>) src(%dma_wait3A_91 : memref<1015808x64xf32, #tpu.memory_space<hbm>>) dst(%dma_wait3A_86 : memref<128x64xf32, #tpu.memory_space<vmem>>)
      %dma_wait3A_92 = arith.constant 128 : i32
      %dma_wait3A_93 = arith.constant 0 : i32
      %dma_wait3A_94 = tpu.memref_slice %arg14[%dma_wait3A_92, %dma_wait3A_93] : memref<320x64xf32, #tpu.memory_space<vmem>> -> memref<128x64xf32, #tpu.memory_space<vmem>>
      %dma_wait3A_95 = arith.constant 128 : i32
      %dma_wait3A_96 = tpu.memref_slice %arg11[%dma_wait3A_95] : memref<320xi32, #tpu.memory_space<vmem>> -> memref<128xi32, #tpu.memory_space<vmem>>
      %dma_wait3A_97 = arith.constant 0 : i32
      %dma_wait3A_98 = arith.constant 0 : i32
      %dma_wait3A_99 = tpu.memref_slice %arg3[%dma_wait3A_97, %dma_wait3A_98] : memref<1015808x64xf32, #tpu.memory_space<hbm>> -> memref<1015808x64xf32, #tpu.memory_space<hbm>>
      tpu.wait_indirect_dma semaphore(%arg17 : memref<!tpu.dma_semaphore, #tpu.memory_space<semaphore_mem>>) src(%dma_wait3A_99 : memref<1015808x64xf32, #tpu.memory_space<hbm>>) dst(%dma_wait3A_94 : memref<128x64xf32, #tpu.memory_space<vmem>>)
      %dma_wait3A_100 = arith.constant 256 : i32
      %dma_wait3A_101 = arith.constant 0 : i32
      %dma_wait3A_102 = tpu.memref_slice %arg13[%dma_wait3A_100, %dma_wait3A_101] : memref<320x64xf32, #tpu.memory_space<vmem>> -> memref<64x64xf32, #tpu.memory_space<vmem>>
      %dma_wait3A_103 = arith.constant 256 : i32
      %dma_wait3A_104 = tpu.memref_slice %arg10[%dma_wait3A_103] : memref<320xi32, #tpu.memory_space<vmem>> -> memref<64xi32, #tpu.memory_space<vmem>>
      %dma_wait3A_105 = arith.constant 0 : i32
      %dma_wait3A_106 = arith.constant 0 : i32
      %dma_wait3A_107 = tpu.memref_slice %arg3[%dma_wait3A_105, %dma_wait3A_106] : memref<1015808x64xf32, #tpu.memory_space<hbm>> -> memref<1015808x64xf32, #tpu.memory_space<hbm>>
      tpu.wait_indirect_dma semaphore(%arg17 : memref<!tpu.dma_semaphore, #tpu.memory_space<semaphore_mem>>) src(%dma_wait3A_107 : memref<1015808x64xf32, #tpu.memory_space<hbm>>) dst(%dma_wait3A_102 : memref<64x64xf32, #tpu.memory_space<vmem>>)
      %dma_wait3A_108 = arith.constant 256 : i32
      %dma_wait3A_109 = arith.constant 0 : i32
      %dma_wait3A_110 = tpu.memref_slice %arg14[%dma_wait3A_108, %dma_wait3A_109] : memref<320x64xf32, #tpu.memory_space<vmem>> -> memref<64x64xf32, #tpu.memory_space<vmem>>
      %dma_wait3A_111 = arith.constant 256 : i32
      %dma_wait3A_112 = tpu.memref_slice %arg11[%dma_wait3A_111] : memref<320xi32, #tpu.memory_space<vmem>> -> memref<64xi32, #tpu.memory_space<vmem>>
      %dma_wait3A_113 = arith.constant 0 : i32
      %dma_wait3A_114 = arith.constant 0 : i32
      %dma_wait3A_115 = tpu.memref_slice %arg3[%dma_wait3A_113, %dma_wait3A_114] : memref<1015808x64xf32, #tpu.memory_space<hbm>> -> memref<1015808x64xf32, #tpu.memory_space<hbm>>
      tpu.wait_indirect_dma semaphore(%arg17 : memref<!tpu.dma_semaphore, #tpu.memory_space<semaphore_mem>>) src(%dma_wait3A_115 : memref<1015808x64xf32, #tpu.memory_space<hbm>>) dst(%dma_wait3A_110 : memref<64x64xf32, #tpu.memory_space<vmem>>)
      %scan3A_116 = arith.constant 0 : i32
      %scan3A_117 = arith.constant 0 : i32
      %scan3A_118 = arith.constant 16 : i32
      %scan3A_119 = arith.addi %scan3A_117, %scan3A_118 : i32
      %scan3A_120 = arith.constant 1 : i32
      scf.for %scan3A_122 = %scan3A_117 to %scan3A_119 step %scan3A_120  : i32 {
        %get3A = arith.index_cast %scan3A_122 : i32 to index
        %get3A_123 = arith.constant 0 : index
        %get3A_124 = tpu.vector_load %arg12[%get3A, %get3A_123] {strides = array<i32>} : memref<16x64xf32, #tpu.memory_space<vmem>>, vector<1x16xf32>,
        %get3A_125 = vector.shape_cast %get3A_124 : vector<1x16xf32> to vector<16xf32>
        %get3A_126 = arith.index_cast %scan3A_122 : i32 to index
        %get3A_127 = arith.constant 16 : index
        %get3A_128 = tpu.vector_load %arg12[%get3A_126, %get3A_127] {strides = array<i32>} : memref<16x64xf32, #tpu.memory_space<vmem>>, vector<1x16xf32>,
        %get3A_129 = vector.shape_cast %get3A_128 : vector<1x16xf32> to vector<16xf32>
        %get3A_130 = arith.index_cast %scan3A_122 : i32 to index
        %get3A_131 = arith.constant 32 : index
        %get3A_132 = tpu.vector_load %arg12[%get3A_130, %get3A_131] {strides = array<i32>} : memref<16x64xf32, #tpu.memory_space<vmem>>, vector<1x16xf32>,
        %get3A_133 = vector.shape_cast %get3A_132 : vector<1x16xf32> to vector<16xf32>
        %get3A_134 = arith.index_cast %scan3A_122 : i32 to index
        %get3A_135 = arith.constant 48 : index
        %get3A_136 = tpu.vector_load %arg12[%get3A_134, %get3A_135] {strides = array<i32>} : memref<16x64xf32, #tpu.memory_space<vmem>>, vector<1x16xf32>,
        %get3A_137 = vector.shape_cast %get3A_136 : vector<1x16xf32> to vector<16xf32>
        %mul3A_138 = arith.constant 20 : i32
        %mul3A_139 = arith.muli %scan3A_122, %mul3A_138 : i32
        %get3A_140 = arith.index_cast %mul3A_139 : i32 to index
        %get3A_141 = arith.constant 0 : index
        %get3A_142 = tpu.vector_load %arg13[%get3A_140, %get3A_141] {strides = array<i32>} : memref<320x64xf32, #tpu.memory_space<vmem>>, vector<1x16xf32>,
        %get3A_143 = vector.shape_cast %get3A_142 : vector<1x16xf32> to vector<16xf32>
        %get3A_144 = arith.index_cast %mul3A_139 : i32 to index
        %get3A_145 = arith.constant 16 : index
        %get3A_146 = tpu.vector_load %arg13[%get3A_144, %get3A_145] {strides = array<i32>} : memref<320x64xf32, #tpu.memory_space<vmem>>, vector<1x16xf32>,
        %get3A_147 = vector.shape_cast %get3A_146 : vector<1x16xf32> to vector<16xf32>
        %get3A_148 = arith.index_cast %mul3A_139 : i32 to index
        %get3A_149 = arith.constant 32 : index
        %get3A_150 = tpu.vector_load %arg13[%get3A_148, %get3A_149] {strides = array<i32>} : memref<320x64xf32, #tpu.memory_space<vmem>>, vector<1x16xf32>,
        %get3A_151 = vector.shape_cast %get3A_150 : vector<1x16xf32> to vector<16xf32>
        %get3A_152 = arith.index_cast %mul3A_139 : i32 to index
        %get3A_153 = arith.constant 48 : index
        %get3A_154 = tpu.vector_load %arg13[%get3A_152, %get3A_153] {strides = array<i32>} : memref<320x64xf32, #tpu.memory_space<vmem>>, vector<1x16xf32>,
        %get3A_155 = vector.shape_cast %get3A_154 : vector<1x16xf32> to vector<16xf32>
        %add3A_156 = arith.constant 1 : i32
        %add3A_157 = arith.addi %mul3A_139, %add3A_156 : i32
        %get3A_158 = arith.index_cast %add3A_157 : i32 to index
        %get3A_159 = arith.constant 0 : index
        %get3A_160 = tpu.vector_load %arg13[%get3A_158, %get3A_159] {strides = array<i32>} : memref<320x64xf32, #tpu.memory_space<vmem>>, vector<1x16xf32>,
        %get3A_161 = vector.shape_cast %get3A_160 : vector<1x16xf32> to vector<16xf32>
        %add3A_162 = arith.addf %get3A_143, %get3A_161 : vector<16xf32>
        %add3A_163 = arith.constant 1 : i32
        %add3A_164 = arith.addi %mul3A_139, %add3A_163 : i32
        %get3A_165 = arith.index_cast %add3A_164 : i32 to index
        %get3A_166 = arith.constant 16 : index
        %get3A_167 = tpu.vector_load %arg13[%get3A_165, %get3A_166] {strides = array<i32>} : memref<320x64xf32, #tpu.memory_space<vmem>>, vector<1x16xf32>,
        %get3A_168 = vector.shape_cast %get3A_167 : vector<1x16xf32> to vector<16xf32>
        %add3A_169 = arith.addf %get3A_147, %get3A_168 : vector<16xf32>
        %add3A_170 = arith.constant 1 : i32
        %add3A_171 = arith.addi %mul3A_139, %add3A_170 : i32
        %get3A_172 = arith.index_cast %add3A_171 : i32 to index
        %get3A_173 = arith.constant 32 : index
        %get3A_174 = tpu.vector_load %arg13[%get3A_172, %get3A_173] {strides = array<i32>} : memref<320x64xf32, #tpu.memory_space<vmem>>, vector<1x16xf32>,
        %get3A_175 = vector.shape_cast %get3A_174 : vector<1x16xf32> to vector<16xf32>
        %add3A_176 = arith.addf %get3A_151, %get3A_175 : vector<16xf32>
        %add3A_177 = arith.constant 1 : i32
        %add3A_178 = arith.addi %mul3A_139, %add3A_177 : i32
        %get3A_179 = arith.index_cast %add3A_178 : i32 to index
        %get3A_180 = arith.constant 48 : index
        %get3A_181 = tpu.vector_load %arg13[%get3A_179, %get3A_180] {strides = array<i32>} : memref<320x64xf32, #tpu.memory_space<vmem>>, vector<1x16xf32>,
        %get3A_182 = vector.shape_cast %get3A_181 : vector<1x16xf32> to vector<16xf32>
        %add3A_183 = arith.addf %get3A_155, %get3A_182 : vector<16xf32>
        %add3A_184 = arith.constant 2 : i32
        %add3A_185 = arith.addi %mul3A_139, %add3A_184 : i32
        %get3A_186 = arith.index_cast %add3A_185 : i32 to index
        %get3A_187 = arith.constant 0 : index
        %get3A_188 = tpu.vector_load %arg13[%get3A_186, %get3A_187] {strides = array<i32>} : memref<320x64xf32, #tpu.memory_space<vmem>>, vector<1x16xf32>,
        %get3A_189 = vector.shape_cast %get3A_188 : vector<1x16xf32> to vector<16xf32>
        %add3A_190 = arith.addf %add3A_162, %get3A_189 : vector<16xf32>
        %add3A_191 = arith.constant 2 : i32
        %add3A_192 = arith.addi %mul3A_139, %add3A_191 : i32
        %get3A_193 = arith.index_cast %add3A_192 : i32 to index
        %get3A_194 = arith.constant 16 : index
        %get3A_195 = tpu.vector_load %arg13[%get3A_193, %get3A_194] {strides = array<i32>} : memref<320x64xf32, #tpu.memory_space<vmem>>, vector<1x16xf32>,
        %get3A_196 = vector.shape_cast %get3A_195 : vector<1x16xf32> to vector<16xf32>
        %add3A_197 = arith.addf %add3A_169, %get3A_196 : vector<16xf32>
        %add3A_198 = arith.constant 2 : i32
        %add3A_199 = arith.addi %mul3A_139, %add3A_198 : i32
        %get3A_200 = arith.index_cast %add3A_199 : i32 to index
        %get3A_201 = arith.constant 32 : index
        %get3A_202 = tpu.vector_load %arg13[%get3A_200, %get3A_201] {strides = array<i32>} : memref<320x64xf32, #tpu.memory_space<vmem>>, vector<1x16xf32>,
        %get3A_203 = vector.shape_cast %get3A_202 : vector<1x16xf32> to vector<16xf32>
        %add3A_204 = arith.addf %add3A_176, %get3A_203 : vector<16xf32>
        %add3A_205 = arith.constant 2 : i32
        %add3A_206 = arith.addi %mul3A_139, %add3A_205 : i32
        %get3A_207 = arith.index_cast %add3A_206 : i32 to index
        %get3A_208 = arith.constant 48 : index
        %get3A_209 = tpu.vector_load %arg13[%get3A_207, %get3A_208] {strides = array<i32>} : memref<320x64xf32, #tpu.memory_space<vmem>>, vector<1x16xf32>,
        %get3A_210 = vector.shape_cast %get3A_209 : vector<1x16xf32> to vector<16xf32>
        %add3A_211 = arith.addf %add3A_183, %get3A_210 : vector<16xf32>
        %add3A_212 = arith.constant 3 : i32
        %add3A_213 = arith.addi %mul3A_139, %add3A_212 : i32
        %get3A_214 = arith.index_cast %add3A_213 : i32 to index
        %get3A_215 = arith.constant 0 : index
        %get3A_216 = tpu.vector_load %arg13[%get3A_214, %get3A_215] {strides = array<i32>} : memref<320x64xf32, #tpu.memory_space<vmem>>, vector<1x16xf32>,
        %get3A_217 = vector.shape_cast %get3A_216 : vector<1x16xf32> to vector<16xf32>
        %add3A_218 = arith.addf %add3A_190, %get3A_217 : vector<16xf32>
        %add3A_219 = arith.constant 3 : i32
        %add3A_220 = arith.addi %mul3A_139, %add3A_219 : i32
        %get3A_221 = arith.index_cast %add3A_220 : i32 to index
        %get3A_222 = arith.constant 16 : index
        %get3A_223 = tpu.vector_load %arg13[%get3A_221, %get3A_222] {strides = array<i32>} : memref<320x64xf32, #tpu.memory_space<vmem>>, vector<1x16xf32>,
        %get3A_224 = vector.shape_cast %get3A_223 : vector<1x16xf32> to vector<16xf32>
        %add3A_225 = arith.addf %add3A_197, %get3A_224 : vector<16xf32>
        %add3A_226 = arith.constant 3 : i32
        %add3A_227 = arith.addi %mul3A_139, %add3A_226 : i32
        %get3A_228 = arith.index_cast %add3A_227 : i32 to index
        %get3A_229 = arith.constant 32 : index
        %get3A_230 = tpu.vector_load %arg13[%get3A_228, %get3A_229] {strides = array<i32>} : memref<320x64xf32, #tpu.memory_space<vmem>>, vector<1x16xf32>,
        %get3A_231 = vector.shape_cast %get3A_230 : vector<1x16xf32> to vector<16xf32>
        %add3A_232 = arith.addf %add3A_204, %get3A_231 : vector<16xf32>
        %add3A_233 = arith.constant 3 : i32
        %add3A_234 = arith.addi %mul3A_139, %add3A_233 : i32
        %get3A_235 = arith.index_cast %add3A_234 : i32 to index
        %get3A_236 = arith.constant 48 : index
        %get3A_237 = tpu.vector_load %arg13[%get3A_235, %get3A_236] {strides = array<i32>} : memref<320x64xf32, #tpu.memory_space<vmem>>, vector<1x16xf32>,
        %get3A_238 = vector.shape_cast %get3A_237 : vector<1x16xf32> to vector<16xf32>
        %add3A_239 = arith.addf %add3A_211, %get3A_238 : vector<16xf32>
        %add3A_240 = arith.constant 4 : i32
        %add3A_241 = arith.addi %mul3A_139, %add3A_240 : i32
        %get3A_242 = arith.index_cast %add3A_241 : i32 to index
        %get3A_243 = arith.constant 0 : index
        %get3A_244 = tpu.vector_load %arg13[%get3A_242, %get3A_243] {strides = array<i32>} : memref<320x64xf32, #tpu.memory_space<vmem>>, vector<1x16xf32>,
        %get3A_245 = vector.shape_cast %get3A_244 : vector<1x16xf32> to vector<16xf32>
        %add3A_246 = arith.addf %add3A_218, %get3A_245 : vector<16xf32>
        %add3A_247 = arith.constant 4 : i32
        %add3A_248 = arith.addi %mul3A_139, %add3A_247 : i32
        %get3A_249 = arith.index_cast %add3A_248 : i32 to index
        %get3A_250 = arith.constant 16 : index
        %get3A_251 = tpu.vector_load %arg13[%get3A_249, %get3A_250] {strides = array<i32>} : memref<320x64xf32, #tpu.memory_space<vmem>>, vector<1x16xf32>,
        %get3A_252 = vector.shape_cast %get3A_251 : vector<1x16xf32> to vector<16xf32>
        %add3A_253 = arith.addf %add3A_225, %get3A_252 : vector<16xf32>
        %add3A_254 = arith.constant 4 : i32
        %add3A_255 = arith.addi %mul3A_139, %add3A_254 : i32
        %get3A_256 = arith.index_cast %add3A_255 : i32 to index
        %get3A_257 = arith.constant 32 : index
        %get3A_258 = tpu.vector_load %arg13[%get3A_256, %get3A_257] {strides = array<i32>} : memref<320x64xf32, #tpu.memory_space<vmem>>, vector<1x16xf32>,
        %get3A_259 = vector.shape_cast %get3A_258 : vector<1x16xf32> to vector<16xf32>
        %add3A_260 = arith.addf %add3A_232, %get3A_259 : vector<16xf32>
        %add3A_261 = arith.constant 4 : i32
        %add3A_262 = arith.addi %mul3A_139, %add3A_261 : i32
        %get3A_263 = arith.index_cast %add3A_262 : i32 to index
        %get3A_264 = arith.constant 48 : index
        %get3A_265 = tpu.vector_load %arg13[%get3A_263, %get3A_264] {strides = array<i32>} : memref<320x64xf32, #tpu.memory_space<vmem>>, vector<1x16xf32>,
        %get3A_266 = vector.shape_cast %get3A_265 : vector<1x16xf32> to vector<16xf32>
        %add3A_267 = arith.addf %add3A_239, %get3A_266 : vector<16xf32>
        %add3A_268 = arith.constant 5 : i32
        %add3A_269 = arith.addi %mul3A_139, %add3A_268 : i32
        %get3A_270 = arith.index_cast %add3A_269 : i32 to index
        %get3A_271 = arith.constant 0 : index
        %get3A_272 = tpu.vector_load %arg13[%get3A_270, %get3A_271] {strides = array<i32>} : memref<320x64xf32, #tpu.memory_space<vmem>>, vector<1x16xf32>,
        %get3A_273 = vector.shape_cast %get3A_272 : vector<1x16xf32> to vector<16xf32>
        %add3A_274 = arith.addf %add3A_246, %get3A_273 : vector<16xf32>
        %add3A_275 = arith.constant 5 : i32
        %add3A_276 = arith.addi %mul3A_139, %add3A_275 : i32
        %get3A_277 = arith.index_cast %add3A_276 : i32 to index
        %get3A_278 = arith.constant 16 : index
        %get3A_279 = tpu.vector_load %arg13[%get3A_277, %get3A_278] {strides = array<i32>} : memref<320x64xf32, #tpu.memory_space<vmem>>, vector<1x16xf32>,
        %get3A_280 = vector.shape_cast %get3A_279 : vector<1x16xf32> to vector<16xf32>
        %add3A_281 = arith.addf %add3A_253, %get3A_280 : vector<16xf32>
        %add3A_282 = arith.constant 5 : i32
        %add3A_283 = arith.addi %mul3A_139, %add3A_282 : i32
        %get3A_284 = arith.index_cast %add3A_283 : i32 to index
        %get3A_285 = arith.constant 32 : index
        %get3A_286 = tpu.vector_load %arg13[%get3A_284, %get3A_285] {strides = array<i32>} : memref<320x64xf32, #tpu.memory_space<vmem>>, vector<1x16xf32>,
        %get3A_287 = vector.shape_cast %get3A_286 : vector<1x16xf32> to vector<16xf32>
        %add3A_288 = arith.addf %add3A_260, %get3A_287 : vector<16xf32>
        %add3A_289 = arith.constant 5 : i32
        %add3A_290 = arith.addi %mul3A_139, %add3A_289 : i32
        %get3A_291 = arith.index_cast %add3A_290 : i32 to index
        %get3A_292 = arith.constant 48 : index
        %get3A_293 = tpu.vector_load %arg13[%get3A_291, %get3A_292] {strides = array<i32>} : memref<320x64xf32, #tpu.memory_space<vmem>>, vector<1x16xf32>,
        %get3A_294 = vector.shape_cast %get3A_293 : vector<1x16xf32> to vector<16xf32>
        %add3A_295 = arith.addf %add3A_267, %get3A_294 : vector<16xf32>
        %add3A_296 = arith.constant 6 : i32
        %add3A_297 = arith.addi %mul3A_139, %add3A_296 : i32
        %get3A_298 = arith.index_cast %add3A_297 : i32 to index
        %get3A_299 = arith.constant 0 : index
        %get3A_300 = tpu.vector_load %arg13[%get3A_298, %get3A_299] {strides = array<i32>} : memref<320x64xf32, #tpu.memory_space<vmem>>, vector<1x16xf32>,
        %get3A_301 = vector.shape_cast %get3A_300 : vector<1x16xf32> to vector<16xf32>
        %add3A_302 = arith.addf %add3A_274, %get3A_301 : vector<16xf32>
        %add3A_303 = arith.constant 6 : i32
        %add3A_304 = arith.addi %mul3A_139, %add3A_303 : i32
        %get3A_305 = arith.index_cast %add3A_304 : i32 to index
        %get3A_306 = arith.constant 16 : index
        %get3A_307 = tpu.vector_load %arg13[%get3A_305, %get3A_306] {strides = array<i32>} : memref<320x64xf32, #tpu.memory_space<vmem>>, vector<1x16xf32>,
        %get3A_308 = vector.shape_cast %get3A_307 : vector<1x16xf32> to vector<16xf32>
        %add3A_309 = arith.addf %add3A_281, %get3A_308 : vector<16xf32>
        %add3A_310 = arith.constant 6 : i32
        %add3A_311 = arith.addi %mul3A_139, %add3A_310 : i32
        %get3A_312 = arith.index_cast %add3A_311 : i32 to index
        %get3A_313 = arith.constant 32 : index
        %get3A_314 = tpu.vector_load %arg13[%get3A_312, %get3A_313] {strides = array<i32>} : memref<320x64xf32, #tpu.memory_space<vmem>>, vector<1x16xf32>,
        %get3A_315 = vector.shape_cast %get3A_314 : vector<1x16xf32> to vector<16xf32>
        %add3A_316 = arith.addf %add3A_288, %get3A_315 : vector<16xf32>
        %add3A_317 = arith.constant 6 : i32
        %add3A_318 = arith.addi %mul3A_139, %add3A_317 : i32
        %get3A_319 = arith.index_cast %add3A_318 : i32 to index
        %get3A_320 = arith.constant 48 : index
        %get3A_321 = tpu.vector_load %arg13[%get3A_319, %get3A_320] {strides = array<i32>} : memref<320x64xf32, #tpu.memory_space<vmem>>, vector<1x16xf32>,
        %get3A_322 = vector.shape_cast %get3A_321 : vector<1x16xf32> to vector<16xf32>
        %add3A_323 = arith.addf %add3A_295, %get3A_322 : vector<16xf32>
        %add3A_324 = arith.constant 7 : i32
        %add3A_325 = arith.addi %mul3A_139, %add3A_324 : i32
        %get3A_326 = arith.index_cast %add3A_325 : i32 to index
        %get3A_327 = arith.constant 0 : index
        %get3A_328 = tpu.vector_load %arg13[%get3A_326, %get3A_327] {strides = array<i32>} : memref<320x64xf32, #tpu.memory_space<vmem>>, vector<1x16xf32>,
        %get3A_329 = vector.shape_cast %get3A_328 : vector<1x16xf32> to vector<16xf32>
        %add3A_330 = arith.addf %add3A_302, %get3A_329 : vector<16xf32>
        %add3A_331 = arith.constant 7 : i32
        %add3A_332 = arith.addi %mul3A_139, %add3A_331 : i32
        %get3A_333 = arith.index_cast %add3A_332 : i32 to index
        %get3A_334 = arith.constant 16 : index
        %get3A_335 = tpu.vector_load %arg13[%get3A_333, %get3A_334] {strides = array<i32>} : memref<320x64xf32, #tpu.memory_space<vmem>>, vector<1x16xf32>,
        %get3A_336 = vector.shape_cast %get3A_335 : vector<1x16xf32> to vector<16xf32>
        %add3A_337 = arith.addf %add3A_309, %get3A_336 : vector<16xf32>
        %add3A_338 = arith.constant 7 : i32
        %add3A_339 = arith.addi %mul3A_139, %add3A_338 : i32
        %get3A_340 = arith.index_cast %add3A_339 : i32 to index
        %get3A_341 = arith.constant 32 : index
        %get3A_342 = tpu.vector_load %arg13[%get3A_340, %get3A_341] {strides = array<i32>} : memref<320x64xf32, #tpu.memory_space<vmem>>, vector<1x16xf32>,
        %get3A_343 = vector.shape_cast %get3A_342 : vector<1x16xf32> to vector<16xf32>
        %add3A_344 = arith.addf %add3A_316, %get3A_343 : vector<16xf32>
        %add3A_345 = arith.constant 7 : i32
        %add3A_346 = arith.addi %mul3A_139, %add3A_345 : i32
        %get3A_347 = arith.index_cast %add3A_346 : i32 to index
        %get3A_348 = arith.constant 48 : index
        %get3A_349 = tpu.vector_load %arg13[%get3A_347, %get3A_348] {strides = array<i32>} : memref<320x64xf32, #tpu.memory_space<vmem>>, vector<1x16xf32>,
        %get3A_350 = vector.shape_cast %get3A_349 : vector<1x16xf32> to vector<16xf32>
        %add3A_351 = arith.addf %add3A_323, %get3A_350 : vector<16xf32>
        %add3A_352 = arith.constant 8 : i32
        %add3A_353 = arith.addi %mul3A_139, %add3A_352 : i32
        %get3A_354 = arith.index_cast %add3A_353 : i32 to index
        %get3A_355 = arith.constant 0 : index
        %get3A_356 = tpu.vector_load %arg13[%get3A_354, %get3A_355] {strides = array<i32>} : memref<320x64xf32, #tpu.memory_space<vmem>>, vector<1x16xf32>,
        %get3A_357 = vector.shape_cast %get3A_356 : vector<1x16xf32> to vector<16xf32>
        %add3A_358 = arith.addf %add3A_330, %get3A_357 : vector<16xf32>
        %add3A_359 = arith.constant 8 : i32
        %add3A_360 = arith.addi %mul3A_139, %add3A_359 : i32
        %get3A_361 = arith.index_cast %add3A_360 : i32 to index
        %get3A_362 = arith.constant 16 : index
        %get3A_363 = tpu.vector_load %arg13[%get3A_361, %get3A_362] {strides = array<i32>} : memref<320x64xf32, #tpu.memory_space<vmem>>, vector<1x16xf32>,
        %get3A_364 = vector.shape_cast %get3A_363 : vector<1x16xf32> to vector<16xf32>
        %add3A_365 = arith.addf %add3A_337, %get3A_364 : vector<16xf32>
        %add3A_366 = arith.constant 8 : i32
        %add3A_367 = arith.addi %mul3A_139, %add3A_366 : i32
        %get3A_368 = arith.index_cast %add3A_367 : i32 to index
        %get3A_369 = arith.constant 32 : index
        %get3A_370 = tpu.vector_load %arg13[%get3A_368, %get3A_369] {strides = array<i32>} : memref<320x64xf32, #tpu.memory_space<vmem>>, vector<1x16xf32>,
        %get3A_371 = vector.shape_cast %get3A_370 : vector<1x16xf32> to vector<16xf32>
        %add3A_372 = arith.addf %add3A_344, %get3A_371 : vector<16xf32>
        %add3A_373 = arith.constant 8 : i32
        %add3A_374 = arith.addi %mul3A_139, %add3A_373 : i32
        %get3A_375 = arith.index_cast %add3A_374 : i32 to index
        %get3A_376 = arith.constant 48 : index
        %get3A_377 = tpu.vector_load %arg13[%get3A_375, %get3A_376] {strides = array<i32>} : memref<320x64xf32, #tpu.memory_space<vmem>>, vector<1x16xf32>,
        %get3A_378 = vector.shape_cast %get3A_377 : vector<1x16xf32> to vector<16xf32>
        %add3A_379 = arith.addf %add3A_351, %get3A_378 : vector<16xf32>
        %add3A_380 = arith.constant 9 : i32
        %add3A_381 = arith.addi %mul3A_139, %add3A_380 : i32
        %get3A_382 = arith.index_cast %add3A_381 : i32 to index
        %get3A_383 = arith.constant 0 : index
        %get3A_384 = tpu.vector_load %arg13[%get3A_382, %get3A_383] {strides = array<i32>} : memref<320x64xf32, #tpu.memory_space<vmem>>, vector<1x16xf32>,
        %get3A_385 = vector.shape_cast %get3A_384 : vector<1x16xf32> to vector<16xf32>
        %add3A_386 = arith.addf %add3A_358, %get3A_385 : vector<16xf32>
        %add3A_387 = arith.constant 9 : i32
        %add3A_388 = arith.addi %mul3A_139, %add3A_387 : i32
        %get3A_389 = arith.index_cast %add3A_388 : i32 to index
        %get3A_390 = arith.constant 16 : index
        %get3A_391 = tpu.vector_load %arg13[%get3A_389, %get3A_390] {strides = array<i32>} : memref<320x64xf32, #tpu.memory_space<vmem>>, vector<1x16xf32>,
        %get3A_392 = vector.shape_cast %get3A_391 : vector<1x16xf32> to vector<16xf32>
        %add3A_393 = arith.addf %add3A_365, %get3A_392 : vector<16xf32>
        %add3A_394 = arith.constant 9 : i32
        %add3A_395 = arith.addi %mul3A_139, %add3A_394 : i32
        %get3A_396 = arith.index_cast %add3A_395 : i32 to index
        %get3A_397 = arith.constant 32 : index
        %get3A_398 = tpu.vector_load %arg13[%get3A_396, %get3A_397] {strides = array<i32>} : memref<320x64xf32, #tpu.memory_space<vmem>>, vector<1x16xf32>,
        %get3A_399 = vector.shape_cast %get3A_398 : vector<1x16xf32> to vector<16xf32>
        %add3A_400 = arith.addf %add3A_372, %get3A_399 : vector<16xf32>
        %add3A_401 = arith.constant 9 : i32
        %add3A_402 = arith.addi %mul3A_139, %add3A_401 : i32
        %get3A_403 = arith.index_cast %add3A_402 : i32 to index
        %get3A_404 = arith.constant 48 : index
        %get3A_405 = tpu.vector_load %arg13[%get3A_403, %get3A_404] {strides = array<i32>} : memref<320x64xf32, #tpu.memory_space<vmem>>, vector<1x16xf32>,
        %get3A_406 = vector.shape_cast %get3A_405 : vector<1x16xf32> to vector<16xf32>
        %add3A_407 = arith.addf %add3A_379, %get3A_406 : vector<16xf32>
        %add3A_408 = arith.constant 10 : i32
        %add3A_409 = arith.addi %mul3A_139, %add3A_408 : i32
        %get3A_410 = arith.index_cast %add3A_409 : i32 to index
        %get3A_411 = arith.constant 0 : index
        %get3A_412 = tpu.vector_load %arg13[%get3A_410, %get3A_411] {strides = array<i32>} : memref<320x64xf32, #tpu.memory_space<vmem>>, vector<1x16xf32>,
        %get3A_413 = vector.shape_cast %get3A_412 : vector<1x16xf32> to vector<16xf32>
        %add3A_414 = arith.addf %add3A_386, %get3A_413 : vector<16xf32>
        %add3A_415 = arith.constant 10 : i32
        %add3A_416 = arith.addi %mul3A_139, %add3A_415 : i32
        %get3A_417 = arith.index_cast %add3A_416 : i32 to index
        %get3A_418 = arith.constant 16 : index
        %get3A_419 = tpu.vector_load %arg13[%get3A_417, %get3A_418] {strides = array<i32>} : memref<320x64xf32, #tpu.memory_space<vmem>>, vector<1x16xf32>,
        %get3A_420 = vector.shape_cast %get3A_419 : vector<1x16xf32> to vector<16xf32>
        %add3A_421 = arith.addf %add3A_393, %get3A_420 : vector<16xf32>
        %add3A_422 = arith.constant 10 : i32
        %add3A_423 = arith.addi %mul3A_139, %add3A_422 : i32
        %get3A_424 = arith.index_cast %add3A_423 : i32 to index
        %get3A_425 = arith.constant 32 : index
        %get3A_426 = tpu.vector_load %arg13[%get3A_424, %get3A_425] {strides = array<i32>} : memref<320x64xf32, #tpu.memory_space<vmem>>, vector<1x16xf32>,
        %get3A_427 = vector.shape_cast %get3A_426 : vector<1x16xf32> to vector<16xf32>
        %add3A_428 = arith.addf %add3A_400, %get3A_427 : vector<16xf32>
        %add3A_429 = arith.constant 10 : i32
        %add3A_430 = arith.addi %mul3A_139, %add3A_429 : i32
        %get3A_431 = arith.index_cast %add3A_430 : i32 to index
        %get3A_432 = arith.constant 48 : index
        %get3A_433 = tpu.vector_load %arg13[%get3A_431, %get3A_432] {strides = array<i32>} : memref<320x64xf32, #tpu.memory_space<vmem>>, vector<1x16xf32>,
        %get3A_434 = vector.shape_cast %get3A_433 : vector<1x16xf32> to vector<16xf32>
        %add3A_435 = arith.addf %add3A_407, %get3A_434 : vector<16xf32>
        %add3A_436 = arith.constant 11 : i32
        %add3A_437 = arith.addi %mul3A_139, %add3A_436 : i32
        %get3A_438 = arith.index_cast %add3A_437 : i32 to index
        %get3A_439 = arith.constant 0 : index
        %get3A_440 = tpu.vector_load %arg13[%get3A_438, %get3A_439] {strides = array<i32>} : memref<320x64xf32, #tpu.memory_space<vmem>>, vector<1x16xf32>,
        %get3A_441 = vector.shape_cast %get3A_440 : vector<1x16xf32> to vector<16xf32>
        %add3A_442 = arith.addf %add3A_414, %get3A_441 : vector<16xf32>
        %add3A_443 = arith.constant 11 : i32
        %add3A_444 = arith.addi %mul3A_139, %add3A_443 : i32
        %get3A_445 = arith.index_cast %add3A_444 : i32 to index
        %get3A_446 = arith.constant 16 : index
        %get3A_447 = tpu.vector_load %arg13[%get3A_445, %get3A_446] {strides = array<i32>} : memref<320x64xf32, #tpu.memory_space<vmem>>, vector<1x16xf32>,
        %get3A_448 = vector.shape_cast %get3A_447 : vector<1x16xf32> to vector<16xf32>
        %add3A_449 = arith.addf %add3A_421, %get3A_448 : vector<16xf32>
        %add3A_450 = arith.constant 11 : i32
        %add3A_451 = arith.addi %mul3A_139, %add3A_450 : i32
        %get3A_452 = arith.index_cast %add3A_451 : i32 to index
        %get3A_453 = arith.constant 32 : index
        %get3A_454 = tpu.vector_load %arg13[%get3A_452, %get3A_453] {strides = array<i32>} : memref<320x64xf32, #tpu.memory_space<vmem>>, vector<1x16xf32>,
        %get3A_455 = vector.shape_cast %get3A_454 : vector<1x16xf32> to vector<16xf32>
        %add3A_456 = arith.addf %add3A_428, %get3A_455 : vector<16xf32>
        %add3A_457 = arith.constant 11 : i32
        %add3A_458 = arith.addi %mul3A_139, %add3A_457 : i32
        %get3A_459 = arith.index_cast %add3A_458 : i32 to index
        %get3A_460 = arith.constant 48 : index
        %get3A_461 = tpu.vector_load %arg13[%get3A_459, %get3A_460] {strides = array<i32>} : memref<320x64xf32, #tpu.memory_space<vmem>>, vector<1x16xf32>,
        %get3A_462 = vector.shape_cast %get3A_461 : vector<1x16xf32> to vector<16xf32>
        %add3A_463 = arith.addf %add3A_435, %get3A_462 : vector<16xf32>
        %add3A_464 = arith.constant 12 : i32
        %add3A_465 = arith.addi %mul3A_139, %add3A_464 : i32
        %get3A_466 = arith.index_cast %add3A_465 : i32 to index
        %get3A_467 = arith.constant 0 : index
        %get3A_468 = tpu.vector_load %arg13[%get3A_466, %get3A_467] {strides = array<i32>} : memref<320x64xf32, #tpu.memory_space<vmem>>, vector<1x16xf32>,
        %get3A_469 = vector.shape_cast %get3A_468 : vector<1x16xf32> to vector<16xf32>
        %add3A_470 = arith.addf %add3A_442, %get3A_469 : vector<16xf32>
        %add3A_471 = arith.constant 12 : i32
        %add3A_472 = arith.addi %mul3A_139, %add3A_471 : i32
        %get3A_473 = arith.index_cast %add3A_472 : i32 to index
        %get3A_474 = arith.constant 16 : index
        %get3A_475 = tpu.vector_load %arg13[%get3A_473, %get3A_474] {strides = array<i32>} : memref<320x64xf32, #tpu.memory_space<vmem>>, vector<1x16xf32>,
        %get3A_476 = vector.shape_cast %get3A_475 : vector<1x16xf32> to vector<16xf32>
        %add3A_477 = arith.addf %add3A_449, %get3A_476 : vector<16xf32>
        %add3A_478 = arith.constant 12 : i32
        %add3A_479 = arith.addi %mul3A_139, %add3A_478 : i32
        %get3A_480 = arith.index_cast %add3A_479 : i32 to index
        %get3A_481 = arith.constant 32 : index
        %get3A_482 = tpu.vector_load %arg13[%get3A_480, %get3A_481] {strides = array<i32>} : memref<320x64xf32, #tpu.memory_space<vmem>>, vector<1x16xf32>,
        %get3A_483 = vector.shape_cast %get3A_482 : vector<1x16xf32> to vector<16xf32>
        %add3A_484 = arith.addf %add3A_456, %get3A_483 : vector<16xf32>
        %add3A_485 = arith.constant 12 : i32
        %add3A_486 = arith.addi %mul3A_139, %add3A_485 : i32
        %get3A_487 = arith.index_cast %add3A_486 : i32 to index
        %get3A_488 = arith.constant 48 : index
        %get3A_489 = tpu.vector_load %arg13[%get3A_487, %get3A_488] {strides = array<i32>} : memref<320x64xf32, #tpu.memory_space<vmem>>, vector<1x16xf32>,
        %get3A_490 = vector.shape_cast %get3A_489 : vector<1x16xf32> to vector<16xf32>
        %add3A_491 = arith.addf %add3A_463, %get3A_490 : vector<16xf32>
        %add3A_492 = arith.constant 13 : i32
        %add3A_493 = arith.addi %mul3A_139, %add3A_492 : i32
        %get3A_494 = arith.index_cast %add3A_493 : i32 to index
        %get3A_495 = arith.constant 0 : index
        %get3A_496 = tpu.vector_load %arg13[%get3A_494, %get3A_495] {strides = array<i32>} : memref<320x64xf32, #tpu.memory_space<vmem>>, vector<1x16xf32>,
        %get3A_497 = vector.shape_cast %get3A_496 : vector<1x16xf32> to vector<16xf32>
        %add3A_498 = arith.addf %add3A_470, %get3A_497 : vector<16xf32>
        %add3A_499 = arith.constant 13 : i32
        %add3A_500 = arith.addi %mul3A_139, %add3A_499 : i32
        %get3A_501 = arith.index_cast %add3A_500 : i32 to index
        %get3A_502 = arith.constant 16 : index
        %get3A_503 = tpu.vector_load %arg13[%get3A_501, %get3A_502] {strides = array<i32>} : memref<320x64xf32, #tpu.memory_space<vmem>>, vector<1x16xf32>,
        %get3A_504 = vector.shape_cast %get3A_503 : vector<1x16xf32> to vector<16xf32>
        %add3A_505 = arith.addf %add3A_477, %get3A_504 : vector<16xf32>
        %add3A_506 = arith.constant 13 : i32
        %add3A_507 = arith.addi %mul3A_139, %add3A_506 : i32
        %get3A_508 = arith.index_cast %add3A_507 : i32 to index
        %get3A_509 = arith.constant 32 : index
        %get3A_510 = tpu.vector_load %arg13[%get3A_508, %get3A_509] {strides = array<i32>} : memref<320x64xf32, #tpu.memory_space<vmem>>, vector<1x16xf32>,
        %get3A_511 = vector.shape_cast %get3A_510 : vector<1x16xf32> to vector<16xf32>
        %add3A_512 = arith.addf %add3A_484, %get3A_511 : vector<16xf32>
        %add3A_513 = arith.constant 13 : i32
        %add3A_514 = arith.addi %mul3A_139, %add3A_513 : i32
        %get3A_515 = arith.index_cast %add3A_514 : i32 to index
        %get3A_516 = arith.constant 48 : index
        %get3A_517 = tpu.vector_load %arg13[%get3A_515, %get3A_516] {strides = array<i32>} : memref<320x64xf32, #tpu.memory_space<vmem>>, vector<1x16xf32>,
        %get3A_518 = vector.shape_cast %get3A_517 : vector<1x16xf32> to vector<16xf32>
        %add3A_519 = arith.addf %add3A_491, %get3A_518 : vector<16xf32>
        %add3A_520 = arith.constant 14 : i32
        %add3A_521 = arith.addi %mul3A_139, %add3A_520 : i32
        %get3A_522 = arith.index_cast %add3A_521 : i32 to index
        %get3A_523 = arith.constant 0 : index
        %get3A_524 = tpu.vector_load %arg13[%get3A_522, %get3A_523] {strides = array<i32>} : memref<320x64xf32, #tpu.memory_space<vmem>>, vector<1x16xf32>,
        %get3A_525 = vector.shape_cast %get3A_524 : vector<1x16xf32> to vector<16xf32>
        %add3A_526 = arith.addf %add3A_498, %get3A_525 : vector<16xf32>
        %add3A_527 = arith.constant 14 : i32
        %add3A_528 = arith.addi %mul3A_139, %add3A_527 : i32
        %get3A_529 = arith.index_cast %add3A_528 : i32 to index
        %get3A_530 = arith.constant 16 : index
        %get3A_531 = tpu.vector_load %arg13[%get3A_529, %get3A_530] {strides = array<i32>} : memref<320x64xf32, #tpu.memory_space<vmem>>, vector<1x16xf32>,
        %get3A_532 = vector.shape_cast %get3A_531 : vector<1x16xf32> to vector<16xf32>
        %add3A_533 = arith.addf %add3A_505, %get3A_532 : vector<16xf32>
        %add3A_534 = arith.constant 14 : i32
        %add3A_535 = arith.addi %mul3A_139, %add3A_534 : i32
        %get3A_536 = arith.index_cast %add3A_535 : i32 to index
        %get3A_537 = arith.constant 32 : index
        %get3A_538 = tpu.vector_load %arg13[%get3A_536, %get3A_537] {strides = array<i32>} : memref<320x64xf32, #tpu.memory_space<vmem>>, vector<1x16xf32>,
        %get3A_539 = vector.shape_cast %get3A_538 : vector<1x16xf32> to vector<16xf32>
        %add3A_540 = arith.addf %add3A_512, %get3A_539 : vector<16xf32>
        %add3A_541 = arith.constant 14 : i32
        %add3A_542 = arith.addi %mul3A_139, %add3A_541 : i32
        %get3A_543 = arith.index_cast %add3A_542 : i32 to index
        %get3A_544 = arith.constant 48 : index
        %get3A_545 = tpu.vector_load %arg13[%get3A_543, %get3A_544] {strides = array<i32>} : memref<320x64xf32, #tpu.memory_space<vmem>>, vector<1x16xf32>,
        %get3A_546 = vector.shape_cast %get3A_545 : vector<1x16xf32> to vector<16xf32>
        %add3A_547 = arith.addf %add3A_519, %get3A_546 : vector<16xf32>
        %add3A_548 = arith.constant 15 : i32
        %add3A_549 = arith.addi %mul3A_139, %add3A_548 : i32
        %get3A_550 = arith.index_cast %add3A_549 : i32 to index
        %get3A_551 = arith.constant 0 : index
        %get3A_552 = tpu.vector_load %arg13[%get3A_550, %get3A_551] {strides = array<i32>} : memref<320x64xf32, #tpu.memory_space<vmem>>, vector<1x16xf32>,
        %get3A_553 = vector.shape_cast %get3A_552 : vector<1x16xf32> to vector<16xf32>
        %add3A_554 = arith.addf %add3A_526, %get3A_553 : vector<16xf32>
        %add3A_555 = arith.constant 15 : i32
        %add3A_556 = arith.addi %mul3A_139, %add3A_555 : i32
        %get3A_557 = arith.index_cast %add3A_556 : i32 to index
        %get3A_558 = arith.constant 16 : index
        %get3A_559 = tpu.vector_load %arg13[%get3A_557, %get3A_558] {strides = array<i32>} : memref<320x64xf32, #tpu.memory_space<vmem>>, vector<1x16xf32>,
        %get3A_560 = vector.shape_cast %get3A_559 : vector<1x16xf32> to vector<16xf32>
        %add3A_561 = arith.addf %add3A_533, %get3A_560 : vector<16xf32>
        %add3A_562 = arith.constant 15 : i32
        %add3A_563 = arith.addi %mul3A_139, %add3A_562 : i32
        %get3A_564 = arith.index_cast %add3A_563 : i32 to index
        %get3A_565 = arith.constant 32 : index
        %get3A_566 = tpu.vector_load %arg13[%get3A_564, %get3A_565] {strides = array<i32>} : memref<320x64xf32, #tpu.memory_space<vmem>>, vector<1x16xf32>,
        %get3A_567 = vector.shape_cast %get3A_566 : vector<1x16xf32> to vector<16xf32>
        %add3A_568 = arith.addf %add3A_540, %get3A_567 : vector<16xf32>
        %add3A_569 = arith.constant 15 : i32
        %add3A_570 = arith.addi %mul3A_139, %add3A_569 : i32
        %get3A_571 = arith.index_cast %add3A_570 : i32 to index
        %get3A_572 = arith.constant 48 : index
        %get3A_573 = tpu.vector_load %arg13[%get3A_571, %get3A_572] {strides = array<i32>} : memref<320x64xf32, #tpu.memory_space<vmem>>, vector<1x16xf32>,
        %get3A_574 = vector.shape_cast %get3A_573 : vector<1x16xf32> to vector<16xf32>
        %add3A_575 = arith.addf %add3A_547, %get3A_574 : vector<16xf32>
        %add3A_576 = arith.constant 16 : i32
        %add3A_577 = arith.addi %mul3A_139, %add3A_576 : i32
        %get3A_578 = arith.index_cast %add3A_577 : i32 to index
        %get3A_579 = arith.constant 0 : index
        %get3A_580 = tpu.vector_load %arg13[%get3A_578, %get3A_579] {strides = array<i32>} : memref<320x64xf32, #tpu.memory_space<vmem>>, vector<1x16xf32>,
        %get3A_581 = vector.shape_cast %get3A_580 : vector<1x16xf32> to vector<16xf32>
        %add3A_582 = arith.addf %add3A_554, %get3A_581 : vector<16xf32>
        %add3A_583 = arith.constant 16 : i32
        %add3A_584 = arith.addi %mul3A_139, %add3A_583 : i32
        %get3A_585 = arith.index_cast %add3A_584 : i32 to index
        %get3A_586 = arith.constant 16 : index
        %get3A_587 = tpu.vector_load %arg13[%get3A_585, %get3A_586] {strides = array<i32>} : memref<320x64xf32, #tpu.memory_space<vmem>>, vector<1x16xf32>,
        %get3A_588 = vector.shape_cast %get3A_587 : vector<1x16xf32> to vector<16xf32>
        %add3A_589 = arith.addf %add3A_561, %get3A_588 : vector<16xf32>
        %add3A_590 = arith.constant 16 : i32
        %add3A_591 = arith.addi %mul3A_139, %add3A_590 : i32
        %get3A_592 = arith.index_cast %add3A_591 : i32 to index
        %get3A_593 = arith.constant 32 : index
        %get3A_594 = tpu.vector_load %arg13[%get3A_592, %get3A_593] {strides = array<i32>} : memref<320x64xf32, #tpu.memory_space<vmem>>, vector<1x16xf32>,
        %get3A_595 = vector.shape_cast %get3A_594 : vector<1x16xf32> to vector<16xf32>
        %add3A_596 = arith.addf %add3A_568, %get3A_595 : vector<16xf32>
        %add3A_597 = arith.constant 16 : i32
        %add3A_598 = arith.addi %mul3A_139, %add3A_597 : i32
        %get3A_599 = arith.index_cast %add3A_598 : i32 to index
        %get3A_600 = arith.constant 48 : index
        %get3A_601 = tpu.vector_load %arg13[%get3A_599, %get3A_600] {strides = array<i32>} : memref<320x64xf32, #tpu.memory_space<vmem>>, vector<1x16xf32>,
        %get3A_602 = vector.shape_cast %get3A_601 : vector<1x16xf32> to vector<16xf32>
        %add3A_603 = arith.addf %add3A_575, %get3A_602 : vector<16xf32>
        %add3A_604 = arith.constant 17 : i32
        %add3A_605 = arith.addi %mul3A_139, %add3A_604 : i32
        %get3A_606 = arith.index_cast %add3A_605 : i32 to index
        %get3A_607 = arith.constant 0 : index
        %get3A_608 = tpu.vector_load %arg13[%get3A_606, %get3A_607] {strides = array<i32>} : memref<320x64xf32, #tpu.memory_space<vmem>>, vector<1x16xf32>,
        %get3A_609 = vector.shape_cast %get3A_608 : vector<1x16xf32> to vector<16xf32>
        %add3A_610 = arith.addf %add3A_582, %get3A_609 : vector<16xf32>
        %add3A_611 = arith.constant 17 : i32
        %add3A_612 = arith.addi %mul3A_139, %add3A_611 : i32
        %get3A_613 = arith.index_cast %add3A_612 : i32 to index
        %get3A_614 = arith.constant 16 : index
        %get3A_615 = tpu.vector_load %arg13[%get3A_613, %get3A_614] {strides = array<i32>} : memref<320x64xf32, #tpu.memory_space<vmem>>, vector<1x16xf32>,
        %get3A_616 = vector.shape_cast %get3A_615 : vector<1x16xf32> to vector<16xf32>
        %add3A_617 = arith.addf %add3A_589, %get3A_616 : vector<16xf32>
        %add3A_618 = arith.constant 17 : i32
        %add3A_619 = arith.addi %mul3A_139, %add3A_618 : i32
        %get3A_620 = arith.index_cast %add3A_619 : i32 to index
        %get3A_621 = arith.constant 32 : index
        %get3A_622 = tpu.vector_load %arg13[%get3A_620, %get3A_621] {strides = array<i32>} : memref<320x64xf32, #tpu.memory_space<vmem>>, vector<1x16xf32>,
        %get3A_623 = vector.shape_cast %get3A_622 : vector<1x16xf32> to vector<16xf32>
        %add3A_624 = arith.addf %add3A_596, %get3A_623 : vector<16xf32>
        %add3A_625 = arith.constant 17 : i32
        %add3A_626 = arith.addi %mul3A_139, %add3A_625 : i32
        %get3A_627 = arith.index_cast %add3A_626 : i32 to index
        %get3A_628 = arith.constant 48 : index
        %get3A_629 = tpu.vector_load %arg13[%get3A_627, %get3A_628] {strides = array<i32>} : memref<320x64xf32, #tpu.memory_space<vmem>>, vector<1x16xf32>,
        %get3A_630 = vector.shape_cast %get3A_629 : vector<1x16xf32> to vector<16xf32>
        %add3A_631 = arith.addf %add3A_603, %get3A_630 : vector<16xf32>
        %add3A_632 = arith.constant 18 : i32
        %add3A_633 = arith.addi %mul3A_139, %add3A_632 : i32
        %get3A_634 = arith.index_cast %add3A_633 : i32 to index
        %get3A_635 = arith.constant 0 : index
        %get3A_636 = tpu.vector_load %arg13[%get3A_634, %get3A_635] {strides = array<i32>} : memref<320x64xf32, #tpu.memory_space<vmem>>, vector<1x16xf32>,
        %get3A_637 = vector.shape_cast %get3A_636 : vector<1x16xf32> to vector<16xf32>
        %add3A_638 = arith.addf %add3A_610, %get3A_637 : vector<16xf32>
        %add3A_639 = arith.constant 18 : i32
        %add3A_640 = arith.addi %mul3A_139, %add3A_639 : i32
        %get3A_641 = arith.index_cast %add3A_640 : i32 to index
        %get3A_642 = arith.constant 16 : index
        %get3A_643 = tpu.vector_load %arg13[%get3A_641, %get3A_642] {strides = array<i32>} : memref<320x64xf32, #tpu.memory_space<vmem>>, vector<1x16xf32>,
        %get3A_644 = vector.shape_cast %get3A_643 : vector<1x16xf32> to vector<16xf32>
        %add3A_645 = arith.addf %add3A_617, %get3A_644 : vector<16xf32>
        %add3A_646 = arith.constant 18 : i32
        %add3A_647 = arith.addi %mul3A_139, %add3A_646 : i32
        %get3A_648 = arith.index_cast %add3A_647 : i32 to index
        %get3A_649 = arith.constant 32 : index
        %get3A_650 = tpu.vector_load %arg13[%get3A_648, %get3A_649] {strides = array<i32>} : memref<320x64xf32, #tpu.memory_space<vmem>>, vector<1x16xf32>,
        %get3A_651 = vector.shape_cast %get3A_650 : vector<1x16xf32> to vector<16xf32>
        %add3A_652 = arith.addf %add3A_624, %get3A_651 : vector<16xf32>
        %add3A_653 = arith.constant 18 : i32
        %add3A_654 = arith.addi %mul3A_139, %add3A_653 : i32
        %get3A_655 = arith.index_cast %add3A_654 : i32 to index
        %get3A_656 = arith.constant 48 : index
        %get3A_657 = tpu.vector_load %arg13[%get3A_655, %get3A_656] {strides = array<i32>} : memref<320x64xf32, #tpu.memory_space<vmem>>, vector<1x16xf32>,
        %get3A_658 = vector.shape_cast %get3A_657 : vector<1x16xf32> to vector<16xf32>
        %add3A_659 = arith.addf %add3A_631, %get3A_658 : vector<16xf32>
        %add3A_660 = arith.constant 19 : i32
        %add3A_661 = arith.addi %mul3A_139, %add3A_660 : i32
        %get3A_662 = arith.index_cast %add3A_661 : i32 to index
        %get3A_663 = arith.constant 0 : index
        %get3A_664 = tpu.vector_load %arg13[%get3A_662, %get3A_663] {strides = array<i32>} : memref<320x64xf32, #tpu.memory_space<vmem>>, vector<1x16xf32>,
        %get3A_665 = vector.shape_cast %get3A_664 : vector<1x16xf32> to vector<16xf32>
        %add3A_666 = arith.addf %add3A_638, %get3A_665 : vector<16xf32>
        %add3A_667 = arith.constant 19 : i32
        %add3A_668 = arith.addi %mul3A_139, %add3A_667 : i32
        %get3A_669 = arith.index_cast %add3A_668 : i32 to index
        %get3A_670 = arith.constant 16 : index
        %get3A_671 = tpu.vector_load %arg13[%get3A_669, %get3A_670] {strides = array<i32>} : memref<320x64xf32, #tpu.memory_space<vmem>>, vector<1x16xf32>,
        %get3A_672 = vector.shape_cast %get3A_671 : vector<1x16xf32> to vector<16xf32>
        %add3A_673 = arith.addf %add3A_645, %get3A_672 : vector<16xf32>
        %add3A_674 = arith.constant 19 : i32
        %add3A_675 = arith.addi %mul3A_139, %add3A_674 : i32
        %get3A_676 = arith.index_cast %add3A_675 : i32 to index
        %get3A_677 = arith.constant 32 : index
        %get3A_678 = tpu.vector_load %arg13[%get3A_676, %get3A_677] {strides = array<i32>} : memref<320x64xf32, #tpu.memory_space<vmem>>, vector<1x16xf32>,
        %get3A_679 = vector.shape_cast %get3A_678 : vector<1x16xf32> to vector<16xf32>
        %add3A_680 = arith.addf %add3A_652, %get3A_679 : vector<16xf32>
        %add3A_681 = arith.constant 19 : i32
        %add3A_682 = arith.addi %mul3A_139, %add3A_681 : i32
        %get3A_683 = arith.index_cast %add3A_682 : i32 to index
        %get3A_684 = arith.constant 48 : index
        %get3A_685 = tpu.vector_load %arg13[%get3A_683, %get3A_684] {strides = array<i32>} : memref<320x64xf32, #tpu.memory_space<vmem>>, vector<1x16xf32>,
        %get3A_686 = vector.shape_cast %get3A_685 : vector<1x16xf32> to vector<16xf32>
        %add3A_687 = arith.addf %add3A_659, %get3A_686 : vector<16xf32>
        %mul3A_688 = arith.mulf %add3A_666, %get3A_125 : vector<16xf32>
        %mul3A_689 = arith.mulf %add3A_673, %get3A_129 : vector<16xf32>
        %add3A_690 = arith.addf %mul3A_688, %mul3A_689 : vector<16xf32>
        %mul3A_691 = arith.mulf %add3A_680, %get3A_133 : vector<16xf32>
        %add3A_692 = arith.addf %add3A_690, %mul3A_691 : vector<16xf32>
        %mul3A_693 = arith.mulf %add3A_687, %get3A_137 : vector<16xf32>
        %add3A_694 = arith.addf %add3A_692, %mul3A_693 : vector<16xf32>
        %swap3A = arith.index_cast %scan3A_122 : i32 to index
        %swap3A_695 = arith.constant 0 : index
        %swap3A_696 = tpu.vector_load %arg15[%swap3A, %swap3A_695] {strides = array<i32>} : memref<16x16xf32, #tpu.memory_space<vmem>>, vector<1x16xf32>,
        %swap3A_697 = vector.shape_cast %swap3A_696 : vector<1x16xf32> to vector<16xf32>
        %swap3A_698 = vector.shape_cast %add3A_694 : vector<16xf32> to vector<1x16xf32>
        tpu.vector_store %arg15[%swap3A, %swap3A_695], %swap3A_698 {strides = array<i32>} : memref<16x16xf32, #tpu.memory_space<vmem>>, vector<1x16xf32>,
        %mul3A_699 = arith.constant 20 : i32
        %mul3A_700 = arith.muli %scan3A_122, %mul3A_699 : i32
        %get3A_701 = arith.index_cast %mul3A_700 : i32 to index
        %get3A_702 = arith.constant 0 : index
        %get3A_703 = tpu.vector_load %arg14[%get3A_701, %get3A_702] {strides = array<i32>} : memref<320x64xf32, #tpu.memory_space<vmem>>, vector<1x16xf32>,
        %get3A_704 = vector.shape_cast %get3A_703 : vector<1x16xf32> to vector<16xf32>
        %get3A_705 = arith.index_cast %mul3A_700 : i32 to index
        %get3A_706 = arith.constant 16 : index
        %get3A_707 = tpu.vector_load %arg14[%get3A_705, %get3A_706] {strides = array<i32>} : memref<320x64xf32, #tpu.memory_space<vmem>>, vector<1x16xf32>,
        %get3A_708 = vector.shape_cast %get3A_707 : vector<1x16xf32> to vector<16xf32>
        %get3A_709 = arith.index_cast %mul3A_700 : i32 to index
        %get3A_710 = arith.constant 32 : index
        %get3A_711 = tpu.vector_load %arg14[%get3A_709, %get3A_710] {strides = array<i32>} : memref<320x64xf32, #tpu.memory_space<vmem>>, vector<1x16xf32>,
        %get3A_712 = vector.shape_cast %get3A_711 : vector<1x16xf32> to vector<16xf32>
        %get3A_713 = arith.index_cast %mul3A_700 : i32 to index
        %get3A_714 = arith.constant 48 : index
        %get3A_715 = tpu.vector_load %arg14[%get3A_713, %get3A_714] {strides = array<i32>} : memref<320x64xf32, #tpu.memory_space<vmem>>, vector<1x16xf32>,
        %get3A_716 = vector.shape_cast %get3A_715 : vector<1x16xf32> to vector<16xf32>
        %add3A_717 = arith.constant 1 : i32
        %add3A_718 = arith.addi %mul3A_700, %add3A_717 : i32
        %get3A_719 = arith.index_cast %add3A_718 : i32 to index
        %get3A_720 = arith.constant 0 : index
        %get3A_721 = tpu.vector_load %arg14[%get3A_719, %get3A_720] {strides = array<i32>} : memref<320x64xf32, #tpu.memory_space<vmem>>, vector<1x16xf32>,
        %get3A_722 = vector.shape_cast %get3A_721 : vector<1x16xf32> to vector<16xf32>
        %add3A_723 = arith.addf %get3A_704, %get3A_722 : vector<16xf32>
        %add3A_724 = arith.constant 1 : i32
        %add3A_725 = arith.addi %mul3A_700, %add3A_724 : i32
        %get3A_726 = arith.index_cast %add3A_725 : i32 to index
        %get3A_727 = arith.constant 16 : index
        %get3A_728 = tpu.vector_load %arg14[%get3A_726, %get3A_727] {strides = array<i32>} : memref<320x64xf32, #tpu.memory_space<vmem>>, vector<1x16xf32>,
        %get3A_729 = vector.shape_cast %get3A_728 : vector<1x16xf32> to vector<16xf32>
        %add3A_730 = arith.addf %get3A_708, %get3A_729 : vector<16xf32>
        %add3A_731 = arith.constant 1 : i32
        %add3A_732 = arith.addi %mul3A_700, %add3A_731 : i32
        %get3A_733 = arith.index_cast %add3A_732 : i32 to index
        %get3A_734 = arith.constant 32 : index
        %get3A_735 = tpu.vector_load %arg14[%get3A_733, %get3A_734] {strides = array<i32>} : memref<320x64xf32, #tpu.memory_space<vmem>>, vector<1x16xf32>,
        %get3A_736 = vector.shape_cast %get3A_735 : vector<1x16xf32> to vector<16xf32>
        %add3A_737 = arith.addf %get3A_712, %get3A_736 : vector<16xf32>
        %add3A_738 = arith.constant 1 : i32
        %add3A_739 = arith.addi %mul3A_700, %add3A_738 : i32
        %get3A_740 = arith.index_cast %add3A_739 : i32 to index
        %get3A_741 = arith.constant 48 : index
        %get3A_742 = tpu.vector_load %arg14[%get3A_740, %get3A_741] {strides = array<i32>} : memref<320x64xf32, #tpu.memory_space<vmem>>, vector<1x16xf32>,
        %get3A_743 = vector.shape_cast %get3A_742 : vector<1x16xf32> to vector<16xf32>
        %add3A_744 = arith.addf %get3A_716, %get3A_743 : vector<16xf32>
        %add3A_745 = arith.constant 2 : i32
        %add3A_746 = arith.addi %mul3A_700, %add3A_745 : i32
        %get3A_747 = arith.index_cast %add3A_746 : i32 to index
        %get3A_748 = arith.constant 0 : index
        %get3A_749 = tpu.vector_load %arg14[%get3A_747, %get3A_748] {strides = array<i32>} : memref<320x64xf32, #tpu.memory_space<vmem>>, vector<1x16xf32>,
        %get3A_750 = vector.shape_cast %get3A_749 : vector<1x16xf32> to vector<16xf32>
        %add3A_751 = arith.addf %add3A_723, %get3A_750 : vector<16xf32>
        %add3A_752 = arith.constant 2 : i32
        %add3A_753 = arith.addi %mul3A_700, %add3A_752 : i32
        %get3A_754 = arith.index_cast %add3A_753 : i32 to index
        %get3A_755 = arith.constant 16 : index
        %get3A_756 = tpu.vector_load %arg14[%get3A_754, %get3A_755] {strides = array<i32>} : memref<320x64xf32, #tpu.memory_space<vmem>>, vector<1x16xf32>,
        %get3A_757 = vector.shape_cast %get3A_756 : vector<1x16xf32> to vector<16xf32>
        %add3A_758 = arith.addf %add3A_730, %get3A_757 : vector<16xf32>
        %add3A_759 = arith.constant 2 : i32
        %add3A_760 = arith.addi %mul3A_700, %add3A_759 : i32
        %get3A_761 = arith.index_cast %add3A_760 : i32 to index
        %get3A_762 = arith.constant 32 : index
        %get3A_763 = tpu.vector_load %arg14[%get3A_761, %get3A_762] {strides = array<i32>} : memref<320x64xf32, #tpu.memory_space<vmem>>, vector<1x16xf32>,
        %get3A_764 = vector.shape_cast %get3A_763 : vector<1x16xf32> to vector<16xf32>
        %add3A_765 = arith.addf %add3A_737, %get3A_764 : vector<16xf32>
        %add3A_766 = arith.constant 2 : i32
        %add3A_767 = arith.addi %mul3A_700, %add3A_766 : i32
        %get3A_768 = arith.index_cast %add3A_767 : i32 to index
        %get3A_769 = arith.constant 48 : index
        %get3A_770 = tpu.vector_load %arg14[%get3A_768, %get3A_769] {strides = array<i32>} : memref<320x64xf32, #tpu.memory_space<vmem>>, vector<1x16xf32>,
        %get3A_771 = vector.shape_cast %get3A_770 : vector<1x16xf32> to vector<16xf32>
        %add3A_772 = arith.addf %add3A_744, %get3A_771 : vector<16xf32>
        %add3A_773 = arith.constant 3 : i32
        %add3A_774 = arith.addi %mul3A_700, %add3A_773 : i32
        %get3A_775 = arith.index_cast %add3A_774 : i32 to index
        %get3A_776 = arith.constant 0 : index
        %get3A_777 = tpu.vector_load %arg14[%get3A_775, %get3A_776] {strides = array<i32>} : memref<320x64xf32, #tpu.memory_space<vmem>>, vector<1x16xf32>,
        %get3A_778 = vector.shape_cast %get3A_777 : vector<1x16xf32> to vector<16xf32>
        %add3A_779 = arith.addf %add3A_751, %get3A_778 : vector<16xf32>
        %add3A_780 = arith.constant 3 : i32
        %add3A_781 = arith.addi %mul3A_700, %add3A_780 : i32
        %get3A_782 = arith.index_cast %add3A_781 : i32 to index
        %get3A_783 = arith.constant 16 : index
        %get3A_784 = tpu.vector_load %arg14[%get3A_782, %get3A_783] {strides = array<i32>} : memref<320x64xf32, #tpu.memory_space<vmem>>, vector<1x16xf32>,
        %get3A_785 = vector.shape_cast %get3A_784 : vector<1x16xf32> to vector<16xf32>
        %add3A_786 = arith.addf %add3A_758, %get3A_785 : vector<16xf32>
        %add3A_787 = arith.constant 3 : i32
        %add3A_788 = arith.addi %mul3A_700, %add3A_787 : i32
        %get3A_789 = arith.index_cast %add3A_788 : i32 to index
        %get3A_790 = arith.constant 32 : index
        %get3A_791 = tpu.vector_load %arg14[%get3A_789, %get3A_790] {strides = array<i32>} : memref<320x64xf32, #tpu.memory_space<vmem>>, vector<1x16xf32>,
        %get3A_792 = vector.shape_cast %get3A_791 : vector<1x16xf32> to vector<16xf32>
        %add3A_793 = arith.addf %add3A_765, %get3A_792 : vector<16xf32>
        %add3A_794 = arith.constant 3 : i32
        %add3A_795 = arith.addi %mul3A_700, %add3A_794 : i32
        %get3A_796 = arith.index_cast %add3A_795 : i32 to index
        %get3A_797 = arith.constant 48 : index
        %get3A_798 = tpu.vector_load %arg14[%get3A_796, %get3A_797] {strides = array<i32>} : memref<320x64xf32, #tpu.memory_space<vmem>>, vector<1x16xf32>,
        %get3A_799 = vector.shape_cast %get3A_798 : vector<1x16xf32> to vector<16xf32>
        %add3A_800 = arith.addf %add3A_772, %get3A_799 : vector<16xf32>
        %add3A_801 = arith.constant 4 : i32
        %add3A_802 = arith.addi %mul3A_700, %add3A_801 : i32
        %get3A_803 = arith.index_cast %add3A_802 : i32 to index
        %get3A_804 = arith.constant 0 : index
        %get3A_805 = tpu.vector_load %arg14[%get3A_803, %get3A_804] {strides = array<i32>} : memref<320x64xf32, #tpu.memory_space<vmem>>, vector<1x16xf32>,
        %get3A_806 = vector.shape_cast %get3A_805 : vector<1x16xf32> to vector<16xf32>
        %add3A_807 = arith.addf %add3A_779, %get3A_806 : vector<16xf32>
        %add3A_808 = arith.constant 4 : i32
        %add3A_809 = arith.addi %mul3A_700, %add3A_808 : i32
        %get3A_810 = arith.index_cast %add3A_809 : i32 to index
        %get3A_811 = arith.constant 16 : index
        %get3A_812 = tpu.vector_load %arg14[%get3A_810, %get3A_811] {strides = array<i32>} : memref<320x64xf32, #tpu.memory_space<vmem>>, vector<1x16xf32>,
        %get3A_813 = vector.shape_cast %get3A_812 : vector<1x16xf32> to vector<16xf32>
        %add3A_814 = arith.addf %add3A_786, %get3A_813 : vector<16xf32>
        %add3A_815 = arith.constant 4 : i32
        %add3A_816 = arith.addi %mul3A_700, %add3A_815 : i32
        %get3A_817 = arith.index_cast %add3A_816 : i32 to index
        %get3A_818 = arith.constant 32 : index
        %get3A_819 = tpu.vector_load %arg14[%get3A_817, %get3A_818] {strides = array<i32>} : memref<320x64xf32, #tpu.memory_space<vmem>>, vector<1x16xf32>,
        %get3A_820 = vector.shape_cast %get3A_819 : vector<1x16xf32> to vector<16xf32>
        %add3A_821 = arith.addf %add3A_793, %get3A_820 : vector<16xf32>
        %add3A_822 = arith.constant 4 : i32
        %add3A_823 = arith.addi %mul3A_700, %add3A_822 : i32
        %get3A_824 = arith.index_cast %add3A_823 : i32 to index
        %get3A_825 = arith.constant 48 : index
        %get3A_826 = tpu.vector_load %arg14[%get3A_824, %get3A_825] {strides = array<i32>} : memref<320x64xf32, #tpu.memory_space<vmem>>, vector<1x16xf32>,
        %get3A_827 = vector.shape_cast %get3A_826 : vector<1x16xf32> to vector<16xf32>
        %add3A_828 = arith.addf %add3A_800, %get3A_827 : vector<16xf32>
        %add3A_829 = arith.constant 5 : i32
        %add3A_830 = arith.addi %mul3A_700, %add3A_829 : i32
        %get3A_831 = arith.index_cast %add3A_830 : i32 to index
        %get3A_832 = arith.constant 0 : index
        %get3A_833 = tpu.vector_load %arg14[%get3A_831, %get3A_832] {strides = array<i32>} : memref<320x64xf32, #tpu.memory_space<vmem>>, vector<1x16xf32>,
        %get3A_834 = vector.shape_cast %get3A_833 : vector<1x16xf32> to vector<16xf32>
        %add3A_835 = arith.addf %add3A_807, %get3A_834 : vector<16xf32>
        %add3A_836 = arith.constant 5 : i32
        %add3A_837 = arith.addi %mul3A_700, %add3A_836 : i32
        %get3A_838 = arith.index_cast %add3A_837 : i32 to index
        %get3A_839 = arith.constant 16 : index
        %get3A_840 = tpu.vector_load %arg14[%get3A_838, %get3A_839] {strides = array<i32>} : memref<320x64xf32, #tpu.memory_space<vmem>>, vector<1x16xf32>,
        %get3A_841 = vector.shape_cast %get3A_840 : vector<1x16xf32> to vector<16xf32>
        %add3A_842 = arith.addf %add3A_814, %get3A_841 : vector<16xf32>
        %add3A_843 = arith.constant 5 : i32
        %add3A_844 = arith.addi %mul3A_700, %add3A_843 : i32
        %get3A_845 = arith.index_cast %add3A_844 : i32 to index
        %get3A_846 = arith.constant 32 : index
        %get3A_847 = tpu.vector_load %arg14[%get3A_845, %get3A_846] {strides = array<i32>} : memref<320x64xf32, #tpu.memory_space<vmem>>, vector<1x16xf32>,
        %get3A_848 = vector.shape_cast %get3A_847 : vector<1x16xf32> to vector<16xf32>
        %add3A_849 = arith.addf %add3A_821, %get3A_848 : vector<16xf32>
        %add3A_850 = arith.constant 5 : i32
        %add3A_851 = arith.addi %mul3A_700, %add3A_850 : i32
        %get3A_852 = arith.index_cast %add3A_851 : i32 to index
        %get3A_853 = arith.constant 48 : index
        %get3A_854 = tpu.vector_load %arg14[%get3A_852, %get3A_853] {strides = array<i32>} : memref<320x64xf32, #tpu.memory_space<vmem>>, vector<1x16xf32>,
        %get3A_855 = vector.shape_cast %get3A_854 : vector<1x16xf32> to vector<16xf32>
        %add3A_856 = arith.addf %add3A_828, %get3A_855 : vector<16xf32>
        %add3A_857 = arith.constant 6 : i32
        %add3A_858 = arith.addi %mul3A_700, %add3A_857 : i32
        %get3A_859 = arith.index_cast %add3A_858 : i32 to index
        %get3A_860 = arith.constant 0 : index
        %get3A_861 = tpu.vector_load %arg14[%get3A_859, %get3A_860] {strides = array<i32>} : memref<320x64xf32, #tpu.memory_space<vmem>>, vector<1x16xf32>,
        %get3A_862 = vector.shape_cast %get3A_861 : vector<1x16xf32> to vector<16xf32>
        %add3A_863 = arith.addf %add3A_835, %get3A_862 : vector<16xf32>
        %add3A_864 = arith.constant 6 : i32
        %add3A_865 = arith.addi %mul3A_700, %add3A_864 : i32
        %get3A_866 = arith.index_cast %add3A_865 : i32 to index
        %get3A_867 = arith.constant 16 : index
        %get3A_868 = tpu.vector_load %arg14[%get3A_866, %get3A_867] {strides = array<i32>} : memref<320x64xf32, #tpu.memory_space<vmem>>, vector<1x16xf32>,
        %get3A_869 = vector.shape_cast %get3A_868 : vector<1x16xf32> to vector<16xf32>
        %add3A_870 = arith.addf %add3A_842, %get3A_869 : vector<16xf32>
        %add3A_871 = arith.constant 6 : i32
        %add3A_872 = arith.addi %mul3A_700, %add3A_871 : i32
        %get3A_873 = arith.index_cast %add3A_872 : i32 to index
        %get3A_874 = arith.constant 32 : index
        %get3A_875 = tpu.vector_load %arg14[%get3A_873, %get3A_874] {strides = array<i32>} : memref<320x64xf32, #tpu.memory_space<vmem>>, vector<1x16xf32>,
        %get3A_876 = vector.shape_cast %get3A_875 : vector<1x16xf32> to vector<16xf32>
        %add3A_877 = arith.addf %add3A_849, %get3A_876 : vector<16xf32>
        %add3A_878 = arith.constant 6 : i32
        %add3A_879 = arith.addi %mul3A_700, %add3A_878 : i32
        %get3A_880 = arith.index_cast %add3A_879 : i32 to index
        %get3A_881 = arith.constant 48 : index
        %get3A_882 = tpu.vector_load %arg14[%get3A_880, %get3A_881] {strides = array<i32>} : memref<320x64xf32, #tpu.memory_space<vmem>>, vector<1x16xf32>,
        %get3A_883 = vector.shape_cast %get3A_882 : vector<1x16xf32> to vector<16xf32>
        %add3A_884 = arith.addf %add3A_856, %get3A_883 : vector<16xf32>
        %add3A_885 = arith.constant 7 : i32
        %add3A_886 = arith.addi %mul3A_700, %add3A_885 : i32
        %get3A_887 = arith.index_cast %add3A_886 : i32 to index
        %get3A_888 = arith.constant 0 : index
        %get3A_889 = tpu.vector_load %arg14[%get3A_887, %get3A_888] {strides = array<i32>} : memref<320x64xf32, #tpu.memory_space<vmem>>, vector<1x16xf32>,
        %get3A_890 = vector.shape_cast %get3A_889 : vector<1x16xf32> to vector<16xf32>
        %add3A_891 = arith.addf %add3A_863, %get3A_890 : vector<16xf32>
        %add3A_892 = arith.constant 7 : i32
        %add3A_893 = arith.addi %mul3A_700, %add3A_892 : i32
        %get3A_894 = arith.index_cast %add3A_893 : i32 to index
        %get3A_895 = arith.constant 16 : index
        %get3A_896 = tpu.vector_load %arg14[%get3A_894, %get3A_895] {strides = array<i32>} : memref<320x64xf32, #tpu.memory_space<vmem>>, vector<1x16xf32>,
        %get3A_897 = vector.shape_cast %get3A_896 : vector<1x16xf32> to vector<16xf32>
        %add3A_898 = arith.addf %add3A_870, %get3A_897 : vector<16xf32>
        %add3A_899 = arith.constant 7 : i32
        %add3A_900 = arith.addi %mul3A_700, %add3A_899 : i32
        %get3A_901 = arith.index_cast %add3A_900 : i32 to index
        %get3A_902 = arith.constant 32 : index
        %get3A_903 = tpu.vector_load %arg14[%get3A_901, %get3A_902] {strides = array<i32>} : memref<320x64xf32, #tpu.memory_space<vmem>>, vector<1x16xf32>,
        %get3A_904 = vector.shape_cast %get3A_903 : vector<1x16xf32> to vector<16xf32>
        %add3A_905 = arith.addf %add3A_877, %get3A_904 : vector<16xf32>
        %add3A_906 = arith.constant 7 : i32
        %add3A_907 = arith.addi %mul3A_700, %add3A_906 : i32
        %get3A_908 = arith.index_cast %add3A_907 : i32 to index
        %get3A_909 = arith.constant 48 : index
        %get3A_910 = tpu.vector_load %arg14[%get3A_908, %get3A_909] {strides = array<i32>} : memref<320x64xf32, #tpu.memory_space<vmem>>, vector<1x16xf32>,
        %get3A_911 = vector.shape_cast %get3A_910 : vector<1x16xf32> to vector<16xf32>
        %add3A_912 = arith.addf %add3A_884, %get3A_911 : vector<16xf32>
        %add3A_913 = arith.constant 8 : i32
        %add3A_914 = arith.addi %mul3A_700, %add3A_913 : i32
        %get3A_915 = arith.index_cast %add3A_914 : i32 to index
        %get3A_916 = arith.constant 0 : index
        %get3A_917 = tpu.vector_load %arg14[%get3A_915, %get3A_916] {strides = array<i32>} : memref<320x64xf32, #tpu.memory_space<vmem>>, vector<1x16xf32>,
        %get3A_918 = vector.shape_cast %get3A_917 : vector<1x16xf32> to vector<16xf32>
        %add3A_919 = arith.addf %add3A_891, %get3A_918 : vector<16xf32>
        %add3A_920 = arith.constant 8 : i32
        %add3A_921 = arith.addi %mul3A_700, %add3A_920 : i32
        %get3A_922 = arith.index_cast %add3A_921 : i32 to index
        %get3A_923 = arith.constant 16 : index
        %get3A_924 = tpu.vector_load %arg14[%get3A_922, %get3A_923] {strides = array<i32>} : memref<320x64xf32, #tpu.memory_space<vmem>>, vector<1x16xf32>,
        %get3A_925 = vector.shape_cast %get3A_924 : vector<1x16xf32> to vector<16xf32>
        %add3A_926 = arith.addf %add3A_898, %get3A_925 : vector<16xf32>
        %add3A_927 = arith.constant 8 : i32
        %add3A_928 = arith.addi %mul3A_700, %add3A_927 : i32
        %get3A_929 = arith.index_cast %add3A_928 : i32 to index
        %get3A_930 = arith.constant 32 : index
        %get3A_931 = tpu.vector_load %arg14[%get3A_929, %get3A_930] {strides = array<i32>} : memref<320x64xf32, #tpu.memory_space<vmem>>, vector<1x16xf32>,
        %get3A_932 = vector.shape_cast %get3A_931 : vector<1x16xf32> to vector<16xf32>
        %add3A_933 = arith.addf %add3A_905, %get3A_932 : vector<16xf32>
        %add3A_934 = arith.constant 8 : i32
        %add3A_935 = arith.addi %mul3A_700, %add3A_934 : i32
        %get3A_936 = arith.index_cast %add3A_935 : i32 to index
        %get3A_937 = arith.constant 48 : index
        %get3A_938 = tpu.vector_load %arg14[%get3A_936, %get3A_937] {strides = array<i32>} : memref<320x64xf32, #tpu.memory_space<vmem>>, vector<1x16xf32>,
        %get3A_939 = vector.shape_cast %get3A_938 : vector<1x16xf32> to vector<16xf32>
        %add3A_940 = arith.addf %add3A_912, %get3A_939 : vector<16xf32>
        %add3A_941 = arith.constant 9 : i32
        %add3A_942 = arith.addi %mul3A_700, %add3A_941 : i32
        %get3A_943 = arith.index_cast %add3A_942 : i32 to index
        %get3A_944 = arith.constant 0 : index
        %get3A_945 = tpu.vector_load %arg14[%get3A_943, %get3A_944] {strides = array<i32>} : memref<320x64xf32, #tpu.memory_space<vmem>>, vector<1x16xf32>,
        %get3A_946 = vector.shape_cast %get3A_945 : vector<1x16xf32> to vector<16xf32>
        %add3A_947 = arith.addf %add3A_919, %get3A_946 : vector<16xf32>
        %add3A_948 = arith.constant 9 : i32
        %add3A_949 = arith.addi %mul3A_700, %add3A_948 : i32
        %get3A_950 = arith.index_cast %add3A_949 : i32 to index
        %get3A_951 = arith.constant 16 : index
        %get3A_952 = tpu.vector_load %arg14[%get3A_950, %get3A_951] {strides = array<i32>} : memref<320x64xf32, #tpu.memory_space<vmem>>, vector<1x16xf32>,
        %get3A_953 = vector.shape_cast %get3A_952 : vector<1x16xf32> to vector<16xf32>
        %add3A_954 = arith.addf %add3A_926, %get3A_953 : vector<16xf32>
        %add3A_955 = arith.constant 9 : i32
        %add3A_956 = arith.addi %mul3A_700, %add3A_955 : i32
        %get3A_957 = arith.index_cast %add3A_956 : i32 to index
        %get3A_958 = arith.constant 32 : index
        %get3A_959 = tpu.vector_load %arg14[%get3A_957, %get3A_958] {strides = array<i32>} : memref<320x64xf32, #tpu.memory_space<vmem>>, vector<1x16xf32>,
        %get3A_960 = vector.shape_cast %get3A_959 : vector<1x16xf32> to vector<16xf32>
        %add3A_961 = arith.addf %add3A_933, %get3A_960 : vector<16xf32>
        %add3A_962 = arith.constant 9 : i32
        %add3A_963 = arith.addi %mul3A_700, %add3A_962 : i32
        %get3A_964 = arith.index_cast %add3A_963 : i32 to index
        %get3A_965 = arith.constant 48 : index
        %get3A_966 = tpu.vector_load %arg14[%get3A_964, %get3A_965] {strides = array<i32>} : memref<320x64xf32, #tpu.memory_space<vmem>>, vector<1x16xf32>,
        %get3A_967 = vector.shape_cast %get3A_966 : vector<1x16xf32> to vector<16xf32>
        %add3A_968 = arith.addf %add3A_940, %get3A_967 : vector<16xf32>
        %add3A_969 = arith.constant 10 : i32
        %add3A_970 = arith.addi %mul3A_700, %add3A_969 : i32
        %get3A_971 = arith.index_cast %add3A_970 : i32 to index
        %get3A_972 = arith.constant 0 : index
        %get3A_973 = tpu.vector_load %arg14[%get3A_971, %get3A_972] {strides = array<i32>} : memref<320x64xf32, #tpu.memory_space<vmem>>, vector<1x16xf32>,
        %get3A_974 = vector.shape_cast %get3A_973 : vector<1x16xf32> to vector<16xf32>
        %add3A_975 = arith.addf %add3A_947, %get3A_974 : vector<16xf32>
        %add3A_976 = arith.constant 10 : i32
        %add3A_977 = arith.addi %mul3A_700, %add3A_976 : i32
        %get3A_978 = arith.index_cast %add3A_977 : i32 to index
        %get3A_979 = arith.constant 16 : index
        %get3A_980 = tpu.vector_load %arg14[%get3A_978, %get3A_979] {strides = array<i32>} : memref<320x64xf32, #tpu.memory_space<vmem>>, vector<1x16xf32>,
        %get3A_981 = vector.shape_cast %get3A_980 : vector<1x16xf32> to vector<16xf32>
        %add3A_982 = arith.addf %add3A_954, %get3A_981 : vector<16xf32>
        %add3A_983 = arith.constant 10 : i32
        %add3A_984 = arith.addi %mul3A_700, %add3A_983 : i32
        %get3A_985 = arith.index_cast %add3A_984 : i32 to index
        %get3A_986 = arith.constant 32 : index
        %get3A_987 = tpu.vector_load %arg14[%get3A_985, %get3A_986] {strides = array<i32>} : memref<320x64xf32, #tpu.memory_space<vmem>>, vector<1x16xf32>,
        %get3A_988 = vector.shape_cast %get3A_987 : vector<1x16xf32> to vector<16xf32>
        %add3A_989 = arith.addf %add3A_961, %get3A_988 : vector<16xf32>
        %add3A_990 = arith.constant 10 : i32
        %add3A_991 = arith.addi %mul3A_700, %add3A_990 : i32
        %get3A_992 = arith.index_cast %add3A_991 : i32 to index
        %get3A_993 = arith.constant 48 : index
        %get3A_994 = tpu.vector_load %arg14[%get3A_992, %get3A_993] {strides = array<i32>} : memref<320x64xf32, #tpu.memory_space<vmem>>, vector<1x16xf32>,
        %get3A_995 = vector.shape_cast %get3A_994 : vector<1x16xf32> to vector<16xf32>
        %add3A_996 = arith.addf %add3A_968, %get3A_995 : vector<16xf32>
        %add3A_997 = arith.constant 11 : i32
        %add3A_998 = arith.addi %mul3A_700, %add3A_997 : i32
        %get3A_999 = arith.index_cast %add3A_998 : i32 to index
        %get3A_1000 = arith.constant 0 : index
        %get3A_1001 = tpu.vector_load %arg14[%get3A_999, %get3A_1000] {strides = array<i32>} : memref<320x64xf32, #tpu.memory_space<vmem>>, vector<1x16xf32>,
        %get3A_1002 = vector.shape_cast %get3A_1001 : vector<1x16xf32> to vector<16xf32>
        %add3A_1003 = arith.addf %add3A_975, %get3A_1002 : vector<16xf32>
        %add3A_1004 = arith.constant 11 : i32
        %add3A_1005 = arith.addi %mul3A_700, %add3A_1004 : i32
        %get3A_1006 = arith.index_cast %add3A_1005 : i32 to index
        %get3A_1007 = arith.constant 16 : index
        %get3A_1008 = tpu.vector_load %arg14[%get3A_1006, %get3A_1007] {strides = array<i32>} : memref<320x64xf32, #tpu.memory_space<vmem>>, vector<1x16xf32>,
        %get3A_1009 = vector.shape_cast %get3A_1008 : vector<1x16xf32> to vector<16xf32>
        %add3A_1010 = arith.addf %add3A_982, %get3A_1009 : vector<16xf32>
        %add3A_1011 = arith.constant 11 : i32
        %add3A_1012 = arith.addi %mul3A_700, %add3A_1011 : i32
        %get3A_1013 = arith.index_cast %add3A_1012 : i32 to index
        %get3A_1014 = arith.constant 32 : index
        %get3A_1015 = tpu.vector_load %arg14[%get3A_1013, %get3A_1014] {strides = array<i32>} : memref<320x64xf32, #tpu.memory_space<vmem>>, vector<1x16xf32>,
        %get3A_1016 = vector.shape_cast %get3A_1015 : vector<1x16xf32> to vector<16xf32>
        %add3A_1017 = arith.addf %add3A_989, %get3A_1016 : vector<16xf32>
        %add3A_1018 = arith.constant 11 : i32
        %add3A_1019 = arith.addi %mul3A_700, %add3A_1018 : i32
        %get3A_1020 = arith.index_cast %add3A_1019 : i32 to index
        %get3A_1021 = arith.constant 48 : index
        %get3A_1022 = tpu.vector_load %arg14[%get3A_1020, %get3A_1021] {strides = array<i32>} : memref<320x64xf32, #tpu.memory_space<vmem>>, vector<1x16xf32>,
        %get3A_1023 = vector.shape_cast %get3A_1022 : vector<1x16xf32> to vector<16xf32>
        %add3A_1024 = arith.addf %add3A_996, %get3A_1023 : vector<16xf32>
        %add3A_1025 = arith.constant 12 : i32
        %add3A_1026 = arith.addi %mul3A_700, %add3A_1025 : i32
        %get3A_1027 = arith.index_cast %add3A_1026 : i32 to index
        %get3A_1028 = arith.constant 0 : index
        %get3A_1029 = tpu.vector_load %arg14[%get3A_1027, %get3A_1028] {strides = array<i32>} : memref<320x64xf32, #tpu.memory_space<vmem>>, vector<1x16xf32>,
        %get3A_1030 = vector.shape_cast %get3A_1029 : vector<1x16xf32> to vector<16xf32>
        %add3A_1031 = arith.addf %add3A_1003, %get3A_1030 : vector<16xf32>
        %add3A_1032 = arith.constant 12 : i32
        %add3A_1033 = arith.addi %mul3A_700, %add3A_1032 : i32
        %get3A_1034 = arith.index_cast %add3A_1033 : i32 to index
        %get3A_1035 = arith.constant 16 : index
        %get3A_1036 = tpu.vector_load %arg14[%get3A_1034, %get3A_1035] {strides = array<i32>} : memref<320x64xf32, #tpu.memory_space<vmem>>, vector<1x16xf32>,
        %get3A_1037 = vector.shape_cast %get3A_1036 : vector<1x16xf32> to vector<16xf32>
        %add3A_1038 = arith.addf %add3A_1010, %get3A_1037 : vector<16xf32>
        %add3A_1039 = arith.constant 12 : i32
        %add3A_1040 = arith.addi %mul3A_700, %add3A_1039 : i32
        %get3A_1041 = arith.index_cast %add3A_1040 : i32 to index
        %get3A_1042 = arith.constant 32 : index
        %get3A_1043 = tpu.vector_load %arg14[%get3A_1041, %get3A_1042] {strides = array<i32>} : memref<320x64xf32, #tpu.memory_space<vmem>>, vector<1x16xf32>,
        %get3A_1044 = vector.shape_cast %get3A_1043 : vector<1x16xf32> to vector<16xf32>
        %add3A_1045 = arith.addf %add3A_1017, %get3A_1044 : vector<16xf32>
        %add3A_1046 = arith.constant 12 : i32
        %add3A_1047 = arith.addi %mul3A_700, %add3A_1046 : i32
        %get3A_1048 = arith.index_cast %add3A_1047 : i32 to index
        %get3A_1049 = arith.constant 48 : index
        %get3A_1050 = tpu.vector_load %arg14[%get3A_1048, %get3A_1049] {strides = array<i32>} : memref<320x64xf32, #tpu.memory_space<vmem>>, vector<1x16xf32>,
        %get3A_1051 = vector.shape_cast %get3A_1050 : vector<1x16xf32> to vector<16xf32>
        %add3A_1052 = arith.addf %add3A_1024, %get3A_1051 : vector<16xf32>
        %add3A_1053 = arith.constant 13 : i32
        %add3A_1054 = arith.addi %mul3A_700, %add3A_1053 : i32
        %get3A_1055 = arith.index_cast %add3A_1054 : i32 to index
        %get3A_1056 = arith.constant 0 : index
        %get3A_1057 = tpu.vector_load %arg14[%get3A_1055, %get3A_1056] {strides = array<i32>} : memref<320x64xf32, #tpu.memory_space<vmem>>, vector<1x16xf32>,
        %get3A_1058 = vector.shape_cast %get3A_1057 : vector<1x16xf32> to vector<16xf32>
        %add3A_1059 = arith.addf %add3A_1031, %get3A_1058 : vector<16xf32>
        %add3A_1060 = arith.constant 13 : i32
        %add3A_1061 = arith.addi %mul3A_700, %add3A_1060 : i32
        %get3A_1062 = arith.index_cast %add3A_1061 : i32 to index
        %get3A_1063 = arith.constant 16 : index
        %get3A_1064 = tpu.vector_load %arg14[%get3A_1062, %get3A_1063] {strides = array<i32>} : memref<320x64xf32, #tpu.memory_space<vmem>>, vector<1x16xf32>,
        %get3A_1065 = vector.shape_cast %get3A_1064 : vector<1x16xf32> to vector<16xf32>
        %add3A_1066 = arith.addf %add3A_1038, %get3A_1065 : vector<16xf32>
        %add3A_1067 = arith.constant 13 : i32
        %add3A_1068 = arith.addi %mul3A_700, %add3A_1067 : i32
        %get3A_1069 = arith.index_cast %add3A_1068 : i32 to index
        %get3A_1070 = arith.constant 32 : index
        %get3A_1071 = tpu.vector_load %arg14[%get3A_1069, %get3A_1070] {strides = array<i32>} : memref<320x64xf32, #tpu.memory_space<vmem>>, vector<1x16xf32>,
        %get3A_1072 = vector.shape_cast %get3A_1071 : vector<1x16xf32> to vector<16xf32>
        %add3A_1073 = arith.addf %add3A_1045, %get3A_1072 : vector<16xf32>
        %add3A_1074 = arith.constant 13 : i32
        %add3A_1075 = arith.addi %mul3A_700, %add3A_1074 : i32
        %get3A_1076 = arith.index_cast %add3A_1075 : i32 to index
        %get3A_1077 = arith.constant 48 : index
        %get3A_1078 = tpu.vector_load %arg14[%get3A_1076, %get3A_1077] {strides = array<i32>} : memref<320x64xf32, #tpu.memory_space<vmem>>, vector<1x16xf32>,
        %get3A_1079 = vector.shape_cast %get3A_1078 : vector<1x16xf32> to vector<16xf32>
        %add3A_1080 = arith.addf %add3A_1052, %get3A_1079 : vector<16xf32>
        %add3A_1081 = arith.constant 14 : i32
        %add3A_1082 = arith.addi %mul3A_700, %add3A_1081 : i32
        %get3A_1083 = arith.index_cast %add3A_1082 : i32 to index
        %get3A_1084 = arith.constant 0 : index
        %get3A_1085 = tpu.vector_load %arg14[%get3A_1083, %get3A_1084] {strides = array<i32>} : memref<320x64xf32, #tpu.memory_space<vmem>>, vector<1x16xf32>,
        %get3A_1086 = vector.shape_cast %get3A_1085 : vector<1x16xf32> to vector<16xf32>
        %add3A_1087 = arith.addf %add3A_1059, %get3A_1086 : vector<16xf32>
        %add3A_1088 = arith.constant 14 : i32
        %add3A_1089 = arith.addi %mul3A_700, %add3A_1088 : i32
        %get3A_1090 = arith.index_cast %add3A_1089 : i32 to index
        %get3A_1091 = arith.constant 16 : index
        %get3A_1092 = tpu.vector_load %arg14[%get3A_1090, %get3A_1091] {strides = array<i32>} : memref<320x64xf32, #tpu.memory_space<vmem>>, vector<1x16xf32>,
        %get3A_1093 = vector.shape_cast %get3A_1092 : vector<1x16xf32> to vector<16xf32>
        %add3A_1094 = arith.addf %add3A_1066, %get3A_1093 : vector<16xf32>
        %add3A_1095 = arith.constant 14 : i32
        %add3A_1096 = arith.addi %mul3A_700, %add3A_1095 : i32
        %get3A_1097 = arith.index_cast %add3A_1096 : i32 to index
        %get3A_1098 = arith.constant 32 : index
        %get3A_1099 = tpu.vector_load %arg14[%get3A_1097, %get3A_1098] {strides = array<i32>} : memref<320x64xf32, #tpu.memory_space<vmem>>, vector<1x16xf32>,
        %get3A_1100 = vector.shape_cast %get3A_1099 : vector<1x16xf32> to vector<16xf32>
        %add3A_1101 = arith.addf %add3A_1073, %get3A_1100 : vector<16xf32>
        %add3A_1102 = arith.constant 14 : i32
        %add3A_1103 = arith.addi %mul3A_700, %add3A_1102 : i32
        %get3A_1104 = arith.index_cast %add3A_1103 : i32 to index
        %get3A_1105 = arith.constant 48 : index
        %get3A_1106 = tpu.vector_load %arg14[%get3A_1104, %get3A_1105] {strides = array<i32>} : memref<320x64xf32, #tpu.memory_space<vmem>>, vector<1x16xf32>,
        %get3A_1107 = vector.shape_cast %get3A_1106 : vector<1x16xf32> to vector<16xf32>
        %add3A_1108 = arith.addf %add3A_1080, %get3A_1107 : vector<16xf32>
        %add3A_1109 = arith.constant 15 : i32
        %add3A_1110 = arith.addi %mul3A_700, %add3A_1109 : i32
        %get3A_1111 = arith.index_cast %add3A_1110 : i32 to index
        %get3A_1112 = arith.constant 0 : index
        %get3A_1113 = tpu.vector_load %arg14[%get3A_1111, %get3A_1112] {strides = array<i32>} : memref<320x64xf32, #tpu.memory_space<vmem>>, vector<1x16xf32>,
        %get3A_1114 = vector.shape_cast %get3A_1113 : vector<1x16xf32> to vector<16xf32>
        %add3A_1115 = arith.addf %add3A_1087, %get3A_1114 : vector<16xf32>
        %add3A_1116 = arith.constant 15 : i32
        %add3A_1117 = arith.addi %mul3A_700, %add3A_1116 : i32
        %get3A_1118 = arith.index_cast %add3A_1117 : i32 to index
        %get3A_1119 = arith.constant 16 : index
        %get3A_1120 = tpu.vector_load %arg14[%get3A_1118, %get3A_1119] {strides = array<i32>} : memref<320x64xf32, #tpu.memory_space<vmem>>, vector<1x16xf32>,
        %get3A_1121 = vector.shape_cast %get3A_1120 : vector<1x16xf32> to vector<16xf32>
        %add3A_1122 = arith.addf %add3A_1094, %get3A_1121 : vector<16xf32>
        %add3A_1123 = arith.constant 15 : i32
        %add3A_1124 = arith.addi %mul3A_700, %add3A_1123 : i32
        %get3A_1125 = arith.index_cast %add3A_1124 : i32 to index
        %get3A_1126 = arith.constant 32 : index
        %get3A_1127 = tpu.vector_load %arg14[%get3A_1125, %get3A_1126] {strides = array<i32>} : memref<320x64xf32, #tpu.memory_space<vmem>>, vector<1x16xf32>,
        %get3A_1128 = vector.shape_cast %get3A_1127 : vector<1x16xf32> to vector<16xf32>
        %add3A_1129 = arith.addf %add3A_1101, %get3A_1128 : vector<16xf32>
        %add3A_1130 = arith.constant 15 : i32
        %add3A_1131 = arith.addi %mul3A_700, %add3A_1130 : i32
        %get3A_1132 = arith.index_cast %add3A_1131 : i32 to index
        %get3A_1133 = arith.constant 48 : index
        %get3A_1134 = tpu.vector_load %arg14[%get3A_1132, %get3A_1133] {strides = array<i32>} : memref<320x64xf32, #tpu.memory_space<vmem>>, vector<1x16xf32>,
        %get3A_1135 = vector.shape_cast %get3A_1134 : vector<1x16xf32> to vector<16xf32>
        %add3A_1136 = arith.addf %add3A_1108, %get3A_1135 : vector<16xf32>
        %add3A_1137 = arith.constant 16 : i32
        %add3A_1138 = arith.addi %mul3A_700, %add3A_1137 : i32
        %get3A_1139 = arith.index_cast %add3A_1138 : i32 to index
        %get3A_1140 = arith.constant 0 : index
        %get3A_1141 = tpu.vector_load %arg14[%get3A_1139, %get3A_1140] {strides = array<i32>} : memref<320x64xf32, #tpu.memory_space<vmem>>, vector<1x16xf32>,
        %get3A_1142 = vector.shape_cast %get3A_1141 : vector<1x16xf32> to vector<16xf32>
        %add3A_1143 = arith.addf %add3A_1115, %get3A_1142 : vector<16xf32>
        %add3A_1144 = arith.constant 16 : i32
        %add3A_1145 = arith.addi %mul3A_700, %add3A_1144 : i32
        %get3A_1146 = arith.index_cast %add3A_1145 : i32 to index
        %get3A_1147 = arith.constant 16 : index
        %get3A_1148 = tpu.vector_load %arg14[%get3A_1146, %get3A_1147] {strides = array<i32>} : memref<320x64xf32, #tpu.memory_space<vmem>>, vector<1x16xf32>,
        %get3A_1149 = vector.shape_cast %get3A_1148 : vector<1x16xf32> to vector<16xf32>
        %add3A_1150 = arith.addf %add3A_1122, %get3A_1149 : vector<16xf32>
        %add3A_1151 = arith.constant 16 : i32
        %add3A_1152 = arith.addi %mul3A_700, %add3A_1151 : i32
        %get3A_1153 = arith.index_cast %add3A_1152 : i32 to index
        %get3A_1154 = arith.constant 32 : index
        %get3A_1155 = tpu.vector_load %arg14[%get3A_1153, %get3A_1154] {strides = array<i32>} : memref<320x64xf32, #tpu.memory_space<vmem>>, vector<1x16xf32>,
        %get3A_1156 = vector.shape_cast %get3A_1155 : vector<1x16xf32> to vector<16xf32>
        %add3A_1157 = arith.addf %add3A_1129, %get3A_1156 : vector<16xf32>
        %add3A_1158 = arith.constant 16 : i32
        %add3A_1159 = arith.addi %mul3A_700, %add3A_1158 : i32
        %get3A_1160 = arith.index_cast %add3A_1159 : i32 to index
        %get3A_1161 = arith.constant 48 : index
        %get3A_1162 = tpu.vector_load %arg14[%get3A_1160, %get3A_1161] {strides = array<i32>} : memref<320x64xf32, #tpu.memory_space<vmem>>, vector<1x16xf32>,
        %get3A_1163 = vector.shape_cast %get3A_1162 : vector<1x16xf32> to vector<16xf32>
        %add3A_1164 = arith.addf %add3A_1136, %get3A_1163 : vector<16xf32>
        %add3A_1165 = arith.constant 17 : i32
        %add3A_1166 = arith.addi %mul3A_700, %add3A_1165 : i32
        %get3A_1167 = arith.index_cast %add3A_1166 : i32 to index
        %get3A_1168 = arith.constant 0 : index
        %get3A_1169 = tpu.vector_load %arg14[%get3A_1167, %get3A_1168] {strides = array<i32>} : memref<320x64xf32, #tpu.memory_space<vmem>>, vector<1x16xf32>,
        %get3A_1170 = vector.shape_cast %get3A_1169 : vector<1x16xf32> to vector<16xf32>
        %add3A_1171 = arith.addf %add3A_1143, %get3A_1170 : vector<16xf32>
        %add3A_1172 = arith.constant 17 : i32
        %add3A_1173 = arith.addi %mul3A_700, %add3A_1172 : i32
        %get3A_1174 = arith.index_cast %add3A_1173 : i32 to index
        %get3A_1175 = arith.constant 16 : index
        %get3A_1176 = tpu.vector_load %arg14[%get3A_1174, %get3A_1175] {strides = array<i32>} : memref<320x64xf32, #tpu.memory_space<vmem>>, vector<1x16xf32>,
        %get3A_1177 = vector.shape_cast %get3A_1176 : vector<1x16xf32> to vector<16xf32>
        %add3A_1178 = arith.addf %add3A_1150, %get3A_1177 : vector<16xf32>
        %add3A_1179 = arith.constant 17 : i32
        %add3A_1180 = arith.addi %mul3A_700, %add3A_1179 : i32
        %get3A_1181 = arith.index_cast %add3A_1180 : i32 to index
        %get3A_1182 = arith.constant 32 : index
        %get3A_1183 = tpu.vector_load %arg14[%get3A_1181, %get3A_1182] {strides = array<i32>} : memref<320x64xf32, #tpu.memory_space<vmem>>, vector<1x16xf32>,
        %get3A_1184 = vector.shape_cast %get3A_1183 : vector<1x16xf32> to vector<16xf32>
        %add3A_1185 = arith.addf %add3A_1157, %get3A_1184 : vector<16xf32>
        %add3A_1186 = arith.constant 17 : i32
        %add3A_1187 = arith.addi %mul3A_700, %add3A_1186 : i32
        %get3A_1188 = arith.index_cast %add3A_1187 : i32 to index
        %get3A_1189 = arith.constant 48 : index
        %get3A_1190 = tpu.vector_load %arg14[%get3A_1188, %get3A_1189] {strides = array<i32>} : memref<320x64xf32, #tpu.memory_space<vmem>>, vector<1x16xf32>,
        %get3A_1191 = vector.shape_cast %get3A_1190 : vector<1x16xf32> to vector<16xf32>
        %add3A_1192 = arith.addf %add3A_1164, %get3A_1191 : vector<16xf32>
        %add3A_1193 = arith.constant 18 : i32
        %add3A_1194 = arith.addi %mul3A_700, %add3A_1193 : i32
        %get3A_1195 = arith.index_cast %add3A_1194 : i32 to index
        %get3A_1196 = arith.constant 0 : index
        %get3A_1197 = tpu.vector_load %arg14[%get3A_1195, %get3A_1196] {strides = array<i32>} : memref<320x64xf32, #tpu.memory_space<vmem>>, vector<1x16xf32>,
        %get3A_1198 = vector.shape_cast %get3A_1197 : vector<1x16xf32> to vector<16xf32>
        %add3A_1199 = arith.addf %add3A_1171, %get3A_1198 : vector<16xf32>
        %add3A_1200 = arith.constant 18 : i32
        %add3A_1201 = arith.addi %mul3A_700, %add3A_1200 : i32
        %get3A_1202 = arith.index_cast %add3A_1201 : i32 to index
        %get3A_1203 = arith.constant 16 : index
        %get3A_1204 = tpu.vector_load %arg14[%get3A_1202, %get3A_1203] {strides = array<i32>} : memref<320x64xf32, #tpu.memory_space<vmem>>, vector<1x16xf32>,
        %get3A_1205 = vector.shape_cast %get3A_1204 : vector<1x16xf32> to vector<16xf32>
        %add3A_1206 = arith.addf %add3A_1178, %get3A_1205 : vector<16xf32>
        %add3A_1207 = arith.constant 18 : i32
        %add3A_1208 = arith.addi %mul3A_700, %add3A_1207 : i32
        %get3A_1209 = arith.index_cast %add3A_1208 : i32 to index
        %get3A_1210 = arith.constant 32 : index
        %get3A_1211 = tpu.vector_load %arg14[%get3A_1209, %get3A_1210] {strides = array<i32>} : memref<320x64xf32, #tpu.memory_space<vmem>>, vector<1x16xf32>,
        %get3A_1212 = vector.shape_cast %get3A_1211 : vector<1x16xf32> to vector<16xf32>
        %add3A_1213 = arith.addf %add3A_1185, %get3A_1212 : vector<16xf32>
        %add3A_1214 = arith.constant 18 : i32
        %add3A_1215 = arith.addi %mul3A_700, %add3A_1214 : i32
        %get3A_1216 = arith.index_cast %add3A_1215 : i32 to index
        %get3A_1217 = arith.constant 48 : index
        %get3A_1218 = tpu.vector_load %arg14[%get3A_1216, %get3A_1217] {strides = array<i32>} : memref<320x64xf32, #tpu.memory_space<vmem>>, vector<1x16xf32>,
        %get3A_1219 = vector.shape_cast %get3A_1218 : vector<1x16xf32> to vector<16xf32>
        %add3A_1220 = arith.addf %add3A_1192, %get3A_1219 : vector<16xf32>
        %add3A_1221 = arith.constant 19 : i32
        %add3A_1222 = arith.addi %mul3A_700, %add3A_1221 : i32
        %get3A_1223 = arith.index_cast %add3A_1222 : i32 to index
        %get3A_1224 = arith.constant 0 : index
        %get3A_1225 = tpu.vector_load %arg14[%get3A_1223, %get3A_1224] {strides = array<i32>} : memref<320x64xf32, #tpu.memory_space<vmem>>, vector<1x16xf32>,
        %get3A_1226 = vector.shape_cast %get3A_1225 : vector<1x16xf32> to vector<16xf32>
        %add3A_1227 = arith.addf %add3A_1199, %get3A_1226 : vector<16xf32>
        %add3A_1228 = arith.constant 19 : i32
        %add3A_1229 = arith.addi %mul3A_700, %add3A_1228 : i32
        %get3A_1230 = arith.index_cast %add3A_1229 : i32 to index
        %get3A_1231 = arith.constant 16 : index
        %get3A_1232 = tpu.vector_load %arg14[%get3A_1230, %get3A_1231] {strides = array<i32>} : memref<320x64xf32, #tpu.memory_space<vmem>>, vector<1x16xf32>,
        %get3A_1233 = vector.shape_cast %get3A_1232 : vector<1x16xf32> to vector<16xf32>
        %add3A_1234 = arith.addf %add3A_1206, %get3A_1233 : vector<16xf32>
        %add3A_1235 = arith.constant 19 : i32
        %add3A_1236 = arith.addi %mul3A_700, %add3A_1235 : i32
        %get3A_1237 = arith.index_cast %add3A_1236 : i32 to index
        %get3A_1238 = arith.constant 32 : index
        %get3A_1239 = tpu.vector_load %arg14[%get3A_1237, %get3A_1238] {strides = array<i32>} : memref<320x64xf32, #tpu.memory_space<vmem>>, vector<1x16xf32>,
        %get3A_1240 = vector.shape_cast %get3A_1239 : vector<1x16xf32> to vector<16xf32>
        %add3A_1241 = arith.addf %add3A_1213, %get3A_1240 : vector<16xf32>
        %add3A_1242 = arith.constant 19 : i32
        %add3A_1243 = arith.addi %mul3A_700, %add3A_1242 : i32
        %get3A_1244 = arith.index_cast %add3A_1243 : i32 to index
        %get3A_1245 = arith.constant 48 : index
        %get3A_1246 = tpu.vector_load %arg14[%get3A_1244, %get3A_1245] {strides = array<i32>} : memref<320x64xf32, #tpu.memory_space<vmem>>, vector<1x16xf32>,
        %get3A_1247 = vector.shape_cast %get3A_1246 : vector<1x16xf32> to vector<16xf32>
        %add3A_1248 = arith.addf %add3A_1220, %get3A_1247 : vector<16xf32>
        %mul3A_1249 = arith.mulf %add3A_1227, %get3A_125 : vector<16xf32>
        %mul3A_1250 = arith.mulf %add3A_1234, %get3A_129 : vector<16xf32>
        %add3A_1251 = arith.addf %mul3A_1249, %mul3A_1250 : vector<16xf32>
        %mul3A_1252 = arith.mulf %add3A_1241, %get3A_133 : vector<16xf32>
        %add3A_1253 = arith.addf %add3A_1251, %mul3A_1252 : vector<16xf32>
        %mul3A_1254 = arith.mulf %add3A_1248, %get3A_137 : vector<16xf32>
        %add3A_1255 = arith.addf %add3A_1253, %mul3A_1254 : vector<16xf32>
        %swap3A_1256 = arith.index_cast %scan3A_122 : i32 to index
        %swap3A_1257 = arith.constant 0 : index
        %swap3A_1258 = tpu.vector_load %arg16[%swap3A_1256, %swap3A_1257] {strides = array<i32>} : memref<16x16xf32, #tpu.memory_space<vmem>>, vector<1x16xf32>,
        %swap3A_1259 = vector.shape_cast %swap3A_1258 : vector<1x16xf32> to vector<16xf32>
        %swap3A_1260 = vector.shape_cast %add3A_1255 : vector<16xf32> to vector<1x16xf32>
        tpu.vector_store %arg16[%swap3A_1256, %swap3A_1257], %swap3A_1260 {strides = array<i32>} : memref<16x16xf32, #tpu.memory_space<vmem>>, vector<1x16xf32>,
      }
      %scan3A_121 = arith.constant 16 : i32
      "tpu.region"() ({
        %run_scoped3A = tpu.sem_alloc : memref<!tpu.dma_semaphore, #tpu.memory_space<semaphore_mem>>
        %dma_start3A_122 = arith.constant 0 : i32
        %dma_start3A_123 = tpu.memref_slice %arg7[%add3A_11, %dma_start3A_122] : memref<16384x16xf32, #tpu.memory_space<hbm>> -> memref<16x16xf32, #tpu.memory_space<hbm>>
        %dma_start3A_124 = arith.constant 0 : i32
        %dma_start3A_125 = tpu.memref_slice %arg7[%add3A_11, %dma_start3A_124] : memref<16384x16xf32, #tpu.memory_space<hbm>> -> memref<16x16xf32, #tpu.memory_space<hbm>>
        tpu.enqueue_dma source(%arg15 : memref<16x16xf32, #tpu.memory_space<vmem>>) target(%dma_start3A_125 : memref<16x16xf32, #tpu.memory_space<hbm>>) target_semaphore(%run_scoped3A : memref<!tpu.dma_semaphore, #tpu.memory_space<semaphore_mem>>)
        %dma_wait3A_126 = arith.constant 0 : i32
        %dma_wait3A_127 = tpu.memref_slice %arg7[%add3A_11, %dma_wait3A_126] : memref<16384x16xf32, #tpu.memory_space<hbm>> -> memref<16x16xf32, #tpu.memory_space<hbm>>
        %dma_wait3A_128 = arith.constant 0 : i32
        %dma_wait3A_129 = tpu.memref_slice %arg7[%add3A_11, %dma_wait3A_128] : memref<16384x16xf32, #tpu.memory_space<hbm>> -> memref<16x16xf32, #tpu.memory_space<hbm>>
        tpu.wait_dma2 semaphore(%run_scoped3A : memref<!tpu.dma_semaphore, #tpu.memory_space<semaphore_mem>>) src(%arg15 : memref<16x16xf32, #tpu.memory_space<vmem>>) dst(%dma_wait3A_129 : memref<16x16xf32, #tpu.memory_space<hbm>>)
        tpu.yield
      }) : () -> ()
      "tpu.region"() ({
        %run_scoped3A = tpu.sem_alloc : memref<!tpu.dma_semaphore, #tpu.memory_space<semaphore_mem>>
        %dma_start3A_122 = arith.constant 0 : i32
        %dma_start3A_123 = tpu.memref_slice %arg8[%add3A_11, %dma_start3A_122] : memref<16384x16xf32, #tpu.memory_space<hbm>> -> memref<16x16xf32, #tpu.memory_space<hbm>>
        %dma_start3A_124 = arith.constant 0 : i32
        %dma_start3A_125 = tpu.memref_slice %arg8[%add3A_11, %dma_start3A_124] : memref<16384x16xf32, #tpu.memory_space<hbm>> -> memref<16x16xf32, #tpu.memory_space<hbm>>
        tpu.enqueue_dma source(%arg16 : memref<16x16xf32, #tpu.memory_space<vmem>>) target(%dma_start3A_125 : memref<16x16xf32, #tpu.memory_space<hbm>>) target_semaphore(%run_scoped3A : memref<!tpu.dma_semaphore, #tpu.memory_space<semaphore_mem>>)
        %dma_wait3A_126 = arith.constant 0 : i32
        %dma_wait3A_127 = tpu.memref_slice %arg8[%add3A_11, %dma_wait3A_126] : memref<16384x16xf32, #tpu.memory_space<hbm>> -> memref<16x16xf32, #tpu.memory_space<hbm>>
        %dma_wait3A_128 = arith.constant 0 : i32
        %dma_wait3A_129 = tpu.memref_slice %arg8[%add3A_11, %dma_wait3A_128] : memref<16384x16xf32, #tpu.memory_space<hbm>> -> memref<16x16xf32, #tpu.memory_space<hbm>>
        tpu.wait_dma2 semaphore(%run_scoped3A : memref<!tpu.dma_semaphore, #tpu.memory_space<semaphore_mem>>) src(%arg16 : memref<16x16xf32, #tpu.memory_space<vmem>>) dst(%dma_wait3A_129 : memref<16x16xf32, #tpu.memory_space<hbm>>)
        tpu.yield
      }) : () -> ()
    }
    %scan3A_5 = arith.constant 32 : i32
    return
  }
}

module attributes {stable_mosaic.version = 14 : i64} {
  func.func @_transpose_body(%arg0: i32, %arg1: memref<64x16384xf32, #tpu.memory_space<vmem>>, %arg2: memref<64x16384xf32, #tpu.memory_space<vmem>>, %arg3: memref<16384x128xf32, #tpu.memory_space<vmem>>) attributes {dimension_semantics = [#tpu.dimension_semantics<arbitrary>], iteration_bounds = array<i64: 31>, scalar_prefetch = 0 : i64, scratch_operands = 0 : i64, tpu.core_type = #tpu.core_type<tc>, window_params = [{transform_indices = @transform_0, window_bounds = array<i64: 64, 16384>}, {transform_indices = @transform_1, window_bounds = array<i64: 64, 16384>}, {transform_indices = @transform_2, window_bounds = array<i64: 16384, 128>}]} {
    %get3A = arith.constant 0 : index
    %get3A_0 = arith.constant 0 : index
    %get3A_1 = vector.load %arg1[%get3A, %get3A_0] : memref<64x16384xf32, #tpu.memory_space<vmem>>, vector<64x16384xf32>
    %transpose3A = tpu.transpose %get3A_1, [1, 0] : vector<64x16384xf32> -> vector<16384x64xf32>
    %get3A_2 = arith.constant 0 : index
    %get3A_3 = arith.constant 0 : index
    %get3A_4 = vector.load %arg2[%get3A_2, %get3A_3] : memref<64x16384xf32, #tpu.memory_space<vmem>>, vector<64x16384xf32>
    %transpose3A_5 = tpu.transpose %get3A_4, [1, 0] : vector<64x16384xf32> -> vector<16384x64xf32>
    %concatenate3A = tpu.concatenate %transpose3A, %transpose3A_5 in 1 : vector<16384x64xf32>, vector<16384x64xf32> -> vector<16384x128xf32>
    %swap3A = arith.constant 0 : index
    %swap3A_6 = arith.constant 0 : index
    %swap3A_7 = vector.load %arg3[%swap3A, %swap3A_6] : memref<16384x128xf32, #tpu.memory_space<vmem>>, vector<16384x128xf32>
    tpu.vector_store %arg3[%swap3A, %swap3A_6], %concatenate3A {strides = array<i32>} : memref<16384x128xf32, #tpu.memory_space<vmem>>, vector<16384x128xf32>,
    return
  }
  func.func @transform_0(%arg0: i32) -> (i32, i32) {
    %mul3A = arith.constant 2 : i32
    %mul3A_0 = arith.muli %mul3A, %arg0 : i32
    %c0_i32 = arith.constant 0 : i32
    %c0_i32_1 = arith.constant 0 : i32
    return %c0_i32, %mul3A_0 : i32, i32
  }
  func.func @transform_1(%arg0: i32) -> (i32, i32) {
    %mul3A = arith.constant 2 : i32
    %mul3A_0 = arith.muli %mul3A, %arg0 : i32
    %add3A = arith.constant 1 : i32
    %add3A_1 = arith.addi %mul3A_0, %add3A : i32
    %c0_i32 = arith.constant 0 : i32
    %c0_i32_2 = arith.constant 0 : i32
    return %c0_i32, %add3A_1 : i32, i32
  }
  func.func @transform_2(%arg0: i32) -> (i32, i32) {
    %c0_i32 = arith.constant 0 : i32
    %c0_i32_0 = arith.constant 0 : i32
    return %arg0, %c0_i32 : i32, i32
  }
}

module attributes {stable_mosaic.version = 14 : i64} {
  func.func @_finish_body(%arg0: memref<16384x16xf32, #tpu.memory_space<vmem>>, %arg1: memref<16384x16xf32, #tpu.memory_space<vmem>>, %arg2: memref<1x1xf32, #tpu.memory_space<smem>>) attributes {dimension_semantics = [], scalar_prefetch = 0 : i64, scratch_operands = 0 : i64, tpu.core_type = #tpu.core_type<tc>} {
    %get3A = arith.constant 0 : index
    %get3A_0 = arith.constant 0 : index
    %get3A_1 = vector.load %arg0[%get3A, %get3A_0] : memref<16384x16xf32, #tpu.memory_space<vmem>>, vector<16384x16xf32>
    %reduce_sum3A = arith.constant dense<0.000000e+00> : vector<16384xf32>
    %reduce_sum3A_2 = vector.multi_reduction <add>, %get3A_1, %reduce_sum3A [1] : vector<16384x16xf32> to vector<16384xf32>
    %broadcast_in_dim3A = vector.shape_cast %reduce_sum3A_2 : vector<16384xf32> to vector<16384x1xf32>
    %get3A_3 = arith.constant 0 : index
    %get3A_4 = arith.constant 0 : index
    %get3A_5 = vector.load %arg1[%get3A_3, %get3A_4] : memref<16384x16xf32, #tpu.memory_space<vmem>>, vector<16384x16xf32>
    %reduce_sum3A_6 = arith.constant dense<0.000000e+00> : vector<16384xf32>
    %reduce_sum3A_7 = vector.multi_reduction <add>, %get3A_5, %reduce_sum3A_6 [1] : vector<16384x16xf32> to vector<16384xf32>
    %broadcast_in_dim3A_8 = vector.shape_cast %reduce_sum3A_7 : vector<16384xf32> to vector<16384x1xf32>
    %min3A = arith.constant 0.000000e+00 : f32
    %min3A_9 = vector.broadcast %min3A : f32 to vector<16384x1xf32>
    %min3A_10 = arith.minimumf %broadcast_in_dim3A, %min3A_9 : vector<16384x1xf32>
    %abs3A = math.absf %broadcast_in_dim3A : vector<16384x1xf32>
    %neg3A = arith.constant 0.000000e+00 : f32
    %neg3A_11 = vector.broadcast %neg3A : f32 to vector<16384x1xf32>
    %neg3A_12 = arith.subf %neg3A_11, %abs3A : vector<16384x1xf32>
    %exp3A = math.exp %neg3A_12 : vector<16384x1xf32>
    %log1p3A = math.log1p %exp3A : vector<16384x1xf32>
    %sub3A = arith.subf %min3A_10, %log1p3A : vector<16384x1xf32>
    %neg3A_13 = arith.constant 0.000000e+00 : f32
    %neg3A_14 = vector.broadcast %neg3A_13 : f32 to vector<16384x1xf32>
    %neg3A_15 = arith.subf %neg3A_14, %broadcast_in_dim3A_8 : vector<16384x1xf32>
    %min3A_16 = arith.constant 0.000000e+00 : f32
    %min3A_17 = vector.broadcast %min3A_16 : f32 to vector<16384x1xf32>
    %min3A_18 = arith.minimumf %neg3A_15, %min3A_17 : vector<16384x1xf32>
    %abs3A_19 = math.absf %neg3A_15 : vector<16384x1xf32>
    %neg3A_20 = arith.constant 0.000000e+00 : f32
    %neg3A_21 = vector.broadcast %neg3A_20 : f32 to vector<16384x1xf32>
    %neg3A_22 = arith.subf %neg3A_21, %abs3A_19 : vector<16384x1xf32>
    %exp3A_23 = math.exp %neg3A_22 : vector<16384x1xf32>
    %log1p3A_24 = math.log1p %exp3A_23 : vector<16384x1xf32>
    %sub3A_25 = arith.subf %min3A_18, %log1p3A_24 : vector<16384x1xf32>
    %add3A = arith.addf %sub3A, %sub3A_25 : vector<16384x1xf32>
    %reduce_sum3A_26 = vector.shape_cast %add3A : vector<16384x1xf32> to vector<1x16384x1xf32>
    %reduce_sum3A_27 = arith.constant dense<0.000000e+00> : vector<1xf32>
    %reduce_sum3A_28 = vector.multi_reduction <add>, %reduce_sum3A_26, %reduce_sum3A_27 [1, 2] : vector<1x16384x1xf32> to vector<1xf32>
    %reduce_sum3A_29 = vector.shape_cast %reduce_sum3A_28 : vector<1xf32> to vector<1x1x1xf32>
    %reduce_sum3A_30 = vector.extract %reduce_sum3A_29[0, 0, 0] : f32 from vector<1x1x1xf32>
    %neg3A_31 = arith.constant 0.000000e+00 : f32
    %neg3A_32 = arith.subf %neg3A_31, %reduce_sum3A_30 : f32
    %div3A = arith.constant 1.638400e+04 : f32
    %div3A_33 = arith.divf %neg3A_32, %div3A : f32
    %swap3A = arith.constant 0 : index
    %swap3A_34 = arith.constant 0 : index
    %swap3A_35 = memref.load %arg2[%swap3A, %swap3A_34] : memref<1x1xf32, #tpu.memory_space<smem>>
    memref.store %div3A_33, %arg2[%swap3A, %swap3A_34] : memref<1x1xf32, #tpu.memory_space<smem>>
    return
  }
}

</mosaic_0001>

<sc_bundles>
// kernel: kernel.6.cloned.1.call-start
scs
__scs_entry_jumppad:
0x0: {  	(pc) =	sbr.rel $0x88, $3  }
0x1: {  	(tag) =	ssettag $0x0;
	lr =	simm.s32 $0x1  }
0x2: {  	[smem:$0x3F9C] =	sst lr;
	_ =	strace $0xD0000000  }
0x3: {  	_ = 	snop  }
0x4: {  	_ = 	snop  }
0x5: {  	_ = 	snop  }
0x6: {  	_ = 	snop  }
0x7: {  	_ = 	snop  }
__scs_overlays_trampoline_lowered:
0x8: {  	[smem:$0x3FAB] =	sst s0  }
0x9: {  	[smem:$0x3FAC] =	sst s1  }
0xa: {  	[smem:$0x3FAD] =	sst s2  }
0xb: {  	[smem:$0x3FAE] =	sst s3  }
0xc: {  	[smem:$0x3FAF] =	sst s4  }
0xd: {  	[smem:$0x3FB0] =	sst s5  }
0xe: {  	[smem:$0x3FB1] =	sst s6  }
0xf: {  	[smem:$0x3FB2] =	sst s7  }
0x10: {  	[smem:$0x3FB3] =	sst s8  }
0x11: {  	[smem:$0x3FB4] =	sst s9;
	s0 =	simm.s32 @!p0 $0x0  }
0x12: {  	s1 =	sld [smem:$0x3F9A];
	s0 =	simm.s32 @p0 $0x1  }
0x13: {  	[smem:$0x3FB5] =	sst s0;
	s0 =	simm.s32 @!p1 $0x0  }
0x14: {  	s2 =	sld [smem:$0x3F99];
	s0 =	simm.s32 @p1 $0x1  }
0x15: {  	[smem:$0x3FB6] =	sst s0;
	s0 =	simm.s32 @!p2 $0x0  }
0x16: {  	s3 =	sld [smem:$0x3FDB];
	s0 =	simm.s32 @p2 $0x1  }
0x17: {  	s4 =	simm.s32 $0x1BF5;
	[smem:$0x3FB8] =	sst s0  }
0x18: {  	s0 =	sld [smem:$0x3F9B];
	_ =	swait.ge [sflag:s4], $0x0  }
0x19: {  	s7 =	sld [smem:$0x3F9C]  }
0x1a: {  	s8 =	sadd.s32 $0xFFFFE003, lr  }
0x1b: {  	s9 =	sadd.s32 $0xFFFFFEF7, lr;
	s5 =	simm.s32 $0xFFFFFFFF;
	p2 =	slt.u32 s8, $0xFFFFF086  }
0x1c: {  	p1 =	slt.u32 s9, $0xF7A;
	s5 =	simm.s32 @!p2 $0x0  }
0x1d: {  	s5 =	simm.s32 @p1 $0x1;
	p0 =	seq.s32 s7, s2  }
0x1e: {  	s7 =	smul.u32 @!p0 $0xF7A, s2;
	p2 =	seq.s32 @!p0 s5, $0x0  }
0x1f: {  	s9 =	smul.u32 $0xF7A, s1;
	s8 =	simm.s32 @!p0 $0x1BF5;
	p2 =	por !p2, p0  }
0x20: {  	[sflag:s8] =	ssyncset.s32 @!p0 $0xFFFFF086;
	s6 =	sadd.s32 @!p0 s3, s7;
	s7 =	simm.s32 @!p0 $0x108  }
0x21: {  	s3 =	sadd.s32 s3, s9;
	s6 =	sadd.s32 @!p0 $0x88, s6;
	s7 =	simm.s32 @p2 $0x1082  }
0x22: {  	[simem:s7], [sflag:s8] =	dma.local @!p0 [hbm:s6], $0xF7A  }
0x23: {  	s9 =	sor.u32 $0xD0000000, s2;
	s6 =	simm.s32 $0x108;
	_ =	swait.ge @!p0 [sflag:s8], $0x0  }
0x24: {  	s3 =	sadd.s32 $0x88, s3;
	s6 =	simm.s32 @!p1 $0x1082;
	[sflag:s4] =	ssyncset.s32 $0xFFFFF086  }
0x25: {  	[simem:s6], [sflag:s4] =	dma.local [hbm:s3], $0xF7A  }
0x26: {  	[smem:$0x3F9C] =	sst s1;
	(tag) =	ssettag s2;
	_ =	strace s9  }
0x27: {  	s1 =	sld [smem:$0x3FAC]  }
0x28: {  	s2 =	sld [smem:$0x3FAD]  }
0x29: {  	s4 =	sld [smem:$0x3FAF]  }
0x2a: {  	p0 =	seq.s32 s5, $0x0;
	s5 =	sld [smem:$0x3FB0]  }
0x2b: {  	s6 =	sld [smem:$0x3FB1]  }
0x2c: {  	s7 =	sld [smem:$0x3FB2]  }
0x2d: {  	s3 =	simm.s32 $0x108;
	s8 =	sld [smem:$0x3FB3]  }
0x2e: {  	s3 =	simm.s32 @!p0 $0x1082;
	s9 =	sld [smem:$0x3FB4]  }
0x2f: {  	lr =	sadd.s32 s0, s3;
	s0 =	sld [smem:$0x3FAB]  }
0x30: {  	s3 =	sld [smem:$0x3FAE]  }
0x31: {  	[smem:$0x3FB7] =	sst s10  }
0x32: {  	s10 =	sld [smem:$0x3FB5];
	_ =	sdelay $0x3  }
0x33: {  	p0 =	seq.s32 s10, $0x1;
	s10 =	sld [smem:$0x3FB7];
	_ =	sdelay $0x3  }
0x34: {  	[smem:$0x3FB7] =	sst s10  }
0x35: {  	s10 =	sld [smem:$0x3FB6];
	_ =	sdelay $0x3  }
0x36: {  	p1 =	seq.s32 s10, $0x1;
	s10 =	sld [smem:$0x3FB7];
	_ =	sdelay $0x3  }
0x37: {  	[smem:$0x3FB7] =	sst s10  }
0x38: {  	s10 =	sld [smem:$0x3FB8]  }
0x39: {  	_ = 	snop;
	(pc) =	sbr.ind lr, $3  }
0x3a: {  	_ = 	snop  }
0x3b: {  	_ = 	snop  }
0x3c: {  	p2 =	seq.s32 s10, $0x1;
	s10 =	sld [smem:$0x3FB7]  }
0x3d: {  	_ =	shalt  }
0x3e: {  	_ =	shalt  }
0x3f: {  	_ =	shalt  }
0x40: {  	_ =	shalt  }
0x41: {  	_ =	shalt  }
0x42: {  	_ =	shalt  }
0x43: {  	_ =	shalt  }
0x44: {  	_ =	shalt  }
0x45: {  	_ =	shalt  }
0x46: {  	_ =	shalt  }
0x47: {  	_ =	shalt  }
0x48: {  	_ =	shalt  }
0x49: {  	_ =	shalt  }
0x4a: {  	_ =	shalt  }
0x4b: {  	_ =	shalt  }
0x4c: {  	_ =	shalt  }
0x4d: {  	_ =	shalt  }
0x4e: {  	_ =	shalt  }
0x4f: {  	_ =	shalt  }
0x50: {  	_ =	shalt  }
0x51: {  	_ =	shalt  }
0x52: {  	_ =	shalt  }
0x53: {  	_ =	shalt  }
0x54: {  	_ =	shalt  }
0x55: {  	_ =	shalt  }
0x56: {  	_ =	shalt  }
0x57: {  	_ =	shalt  }
0x58: {  	_ =	shalt  }
0x59: {  	_ =	shalt  }
0x5a: {  	_ =	shalt  }
0x5b: {  	_ =	shalt  }
0x5c: {  	_ =	shalt  }
0x5d: {  	_ =	shalt  }
0x5e: {  	_ =	shalt  }
0x5f: {  	_ =	shalt  }
0x60: {  	_ =	shalt  }
0x61: {  	_ =	shalt  }
0x62: {  	_ =	shalt  }
0x63: {  	_ =	shalt  }
0x64: {  	_ =	shalt  }
0x65: {  	_ =	shalt  }
0x66: {  	_ =	shalt  }
0x67: {  	_ =	shalt  }
0x68: {  	_ =	shalt  }
0x69: {  	_ =	shalt  }
0x6a: {  	_ =	shalt  }
0x6b: {  	_ =	shalt  }
0x6c: {  	_ =	shalt  }
0x6d: {  	_ =	shalt  }
0x6e: {  	_ =	shalt  }
0x6f: {  	_ =	shalt  }
0x70: {  	_ =	shalt  }
0x71: {  	_ =	shalt  }
0x72: {  	_ =	shalt  }
0x73: {  	_ =	shalt  }
0x74: {  	_ =	shalt  }
0x75: {  	_ =	shalt  }
0x76: {  	_ =	shalt  }
0x77: {  	_ =	shalt  }
0x78: {  	_ =	shalt  }
0x79: {  	_ =	shalt  }
0x7a: {  	_ =	shalt  }
0x7b: {  	_ =	shalt  }
0x7c: {  	_ =	shalt  }
0x7d: {  	_ =	shalt  }
0x7e: {  	_ =	shalt  }
0x7f: {  	_ =	shalt  }
0x80: {  	_ =	shalt  }
0x81: {  	_ =	shalt  }
0x82: {  	_ =	shalt  }
0x83: {  	_ =	shalt  }
0x84: {  	_ =	shalt  }
0x85: {  	_ =	shalt  }
0x86: {  	_ =	shalt  }
0x87: {  	_ =	shalt  }
.Lfunc_end0:
.L_simem_size_0:
called_computation_lowered:
.L_overlay_start_0:
0x88: {  	s2 =	sld [smem:$0x3FD9]  }
0x89: {  	s3 =	sld [smem:$0x3FFE];
	_ =	sdelay $0x1  }
0x8a: {  	s1 =	srdreg.scid  }
0x8b: {  	s0 =	sand.u32 $0x1, s1  }
0x8c: {  	s16 =	sshll.u32 s0, $0xA;
	s2 =	sadd.s32 s3, s2  }
0x8d: {  	s2 =	sadd.s32 s2, s16  }
0x8e: {  	[smem:$0x3FC3] =	sst s2  }
0x8f: {  	_ = 	snop  }
0x90: {  	(tm) =	ssettm $0x1  }
0x91: {  	s17 =	sld [smem:$0x3FFB];
	_ =	sdelay $0x3  }
0x92: {  	_ =	strace s17  }
0x93: {  	s2 =	sld [smem:$0x3FFC];
	_ =	sdelay $0x3  }
0x94: {  	_ =	strace s2  }
0x95: {  	s2 =	sld [smem:$0x3FFD];
	_ =	sdelay $0x3  }
0x96: {  	_ =	strace s2  }
0x97: {  	_ =	strace $0x8FFFFFFF  }
0x98: {  	s18 =	sld [smem:$0x3FDB];
	_ =	sdelay $0x1  }
0x99: {  	s19 =	simm.s32 $_scs_section_size  }
0x9a: {  	s4 =	simm.s32 $_size__tile_overlayer_lowered;
	s5 =	simm.s32 $_tile_overlayer_lowered  }
0x9b: {  	s22 =	simm.s32 $0x1BFF;
	s21 =	sshll.u32 s5, $0x1;
	s2 =	sadd.s32 s19, s18  }
0x9c: {  	s6 =	simm.s32 $0x0;
	s20 =	sshll.u32 s4, $0x1;
	s4 =	sadd.s32 s21, s2  }
0x9d: {  	[timem:s6], [sflag:s22] =	dma.local [hbm:s4], s20  }
0x9e: {  	_ =	swait.ge [sflag:s22], s20  }
0x9f: {  	s3 =	ssub.s32 $0x0, s20;
	[sflag:s22] =	ssyncset.done $0x0  }
0xa0: {  	[sflag:s22] =	ssyncadd.s32 s3;
	_ =	sdelay $0x1  }
0xa1: {  	s23 =	simm.s32 $0x1B8B  }
0xa2: {  	_ =	swait.ge [sflag:s23], $0x1  }
0xa3: {  	[sflag:s23] =	ssyncset.done $0x0  }
0xa4: {  	s25 =	simm.s32 $0x1B8E;
	s24 =	sld [smem:$0x3FFE];
	[sflag:s23] =	ssyncadd.s32 $0xFFFFFFFF  }
0xa5: {  	s26 =	simm.s32 $execute0_lowered;
	[smem:$0x3FD2] =	sst s25  }
0xa6: {  	s4 =	sshll.u32 s26, $0x1;
	_ =	strace $0x80000046;
	[dreg:$0x1] =	wrdreg $0xFFFFFFFF  }
0xa7: {  	s28 =	simm.s32 $_size_execute0_lowered;
	s2 =	sadd.s32 s2, s4;
	[dreg:$0x0] =	wrdreg $0x0  }
0xa8: {  	s4 =	sshll.u32 s28, $0x1;
	[dreg:$0x2] =	wrdreg s2  }
0xa9: {  	[dreg:$0x3] =	wrdreg s4  }
0xaa: {  	[dreg:$0x4] =	wrdreg $0xC0  }
0xab: {  	_ =	task [dreg:s6], $0x5FFFF  }
0xac: {  	[dreg:$0x1] =	wrdreg $0xFFFFFFFF  }
0xad: {  	[dreg:$0x0] =	wrdreg $0x60  }
0xae: {  	[dreg:$0x2] =	wrdreg s24  }
0xaf: {  	[dreg:$0x3] =	wrdreg $0x9  }
0xb0: {  	_ =	task.clear_ibuf [dreg:s6], $0x4FFFF;
	_ =	strace $0x90000046  }
0xb1: {  	s29 =	simm.s32 $0x9;
	_ =	strace $0x80000048  }
0xb2: {  	_ =	swait.ge [sflag:s29], $0x1  }
0xb3: {  	[sflag:s29] =	ssyncadd.s32 $0xFFFFFFFF  }
0xb4: {  	_ =	strace $0x90000048  }
0xb5: {  	_ =	sfence  }
0xb6: {  	s30 =	sld [smem:$0x0];
	_ =	sdelay $0x2  }
0xb7: {  	s31 =	sshll.u32 s1, $0xD;
	s1 =	sshrl.u32 s1, $0x2  }
0xb8: {  	s3 =	sand.u32 $0x4000, s31;
	s1 =	sadd.s32 s1, s30  }
0xb9: {  	s0 =	sor.u32 s3, s0;
	s1 =	sshll.u32 s1, $0x11  }
0xba: {  	s0 =	sor.u32 s1, s0  }
0xbb: {  	s0 =	sadd.s32 $0x8F2B, s0  }
0xbc: {  	[sflag:s0] =	ssyncadd.remote.s32 $0x1  }
0xbd: {  	_ =	sfence.sel $0xFFFF  }
0xbe: {  	[dreg:$0x0] =	wrdreg $0xFFFFFFFF;
	(pc) =	sbr.abs _section_cstart, $3  }
0xbf: {  	[dreg:$0x1] =	wrdreg $0xFFFFFFFF  }
0xc0: {  	_ =	task.clear_ibuf [dreg:s6], $0x2FFFF;
	_ =	strace $0x9FFFFFFF  }
0xc1: {  	(tm) =	ssettm $0x7FFFFFFF  }
tec
execute0_lowered:
.L_overlay_start_1:
0x0: {  	(tag) =	ssettag $0x1  }
0x1: {  	s0 =	rddreg [dreg:$0x0];
	s1 =	simm.s32 $0x0  }
0x2: {  	s5 =	srdreg.scid;
	s9 =	stileid.u32;
	s13 =	simm.s32 $0x10  }
0x3: {  	s14 =	simm.s32 $0x150;
	s16 =	simm.s32 $0x80;
	s20 =	simm.s32 $0x2690  }
0x4: {  	s21 =	simm.s32 $0x1D0;
	s22 =	simm.s32 $0x7690;
	s23 =	simm.s32 $0x40  }
0x5: {  	s24 =	simm.s32 $0x110;
	s25 =	simm.s32 $0x4690;
	s28 =	simm.s32 $0x9690  }
0x6: {  	s29 =	simm.s32 $0x1;
	s30 =	simm.s32 $0xA690;
	s31 =	simm.s32 $0xA790  }
0x7: {  	[smem:$0x7FF] =	sst s1;
	s2 =	sadd.s32 $0x15400, s0;
	s3 =	sadd.s32 $0x7D5400, s0  }
0x8: {  	s4 =	sadd.s32 $0xC00, s0;
	s6 =	sadd.s32 $0xB400, s0;
	s5 =	sand.u32 $0x1, s5  }
0x9: {  	s7 =	sadd.s32 $0x1400, s0;
	s8 =	sadd.s32 $0xF9D400, s0;
	s10 =	ssub.s32 $0x2, s5  }
0xa: {  	s12 =	sshll.u32 s9, $0x9;
	s9 =	sadd.s32 $0xF95400, s0;
	s11 =	sshrl.u32 s10, $0x1  }
0xb: {  	_ =	strace $0x80000047;
	s5 =	sshll.u32 s5, $0xD;
	s26 =	ssub.s32 s10, s11  }
0xc: {  	s10 =	sor.u32 s12, s5;
	s12 =	simm.s32 $0x2;
	s0 =	smax.u32 s26, $0x1  }
0xd: {  	s5 =	simm.s32 $0x0;
	s26 =	simm.s32 $0x250;
	[dreg:$0x2] =	wrdreg s0  }
.LBB2_1:
0xe: {  	[dreg:$0x3] =	wrdreg s5;
	s5 =	simm.s32 $0x0  }
.LBB2_2:
0xf: {  	s0 =	sshll.u32 s5, $0x4  }
0x10: {  	s11 =	sadd.s32 s10, s0  }
0x11: {  	s0 =	sshrl.u32 s11, $0x3  }
0x12: {  	s18 =	smul.u32 $0x14, s11;
	s15 =	sadd.s32 s4, s0;
	s0 =	simm.s32 $0x0  }
0x13: {  	[tilespmem:s0], [sflag:$0x2] =	stream.linear.gather [hbm4b:s15+s0], $0x10, $0x38;
	[tilespmem:$0xA890] =	vst v63  }
0x14: {  	_ =	swait.ge [sflag:s12], $0x10  }
0x15: {  	s15 =	sshrl.u32 s18, $0x3;
	[sflag:s12] =	ssyncset.done $0x0  }
0x16: {  	s17 =	sadd.s32 s6, s15;
	[sflag:s12] =	ssyncadd.s32 $0xFFFFFFF0  }
0x17: {  	[tilespmem:s13], [sflag:$0x2] =	stream.linear.gather [hbm4b:s17+s0], $0x140, $0x38;
	[tilespmem:$0xA890] =	vst v63  }
0x18: {  	_ =	swait.ge [sflag:s12], $0x140  }
0x19: {  	[sflag:s12] =	ssyncset.done $0x0  }
0x1a: {  	s15 =	sadd.s32 s7, s15;
	[sflag:s12] =	ssyncadd.s32 $0xFFFFFEC0  }
0x1b: {  	[tilespmem:s14], [sflag:$0x2] =	stream.linear.gather [hbm4b:s15+s0], $0x140, $0x38;
	[tilespmem:$0xA890] =	vst v63  }
0x1c: {  	_ =	swait.ge [sflag:s12], $0x140  }
0x1d: {  	[sflag:s12] =	ssyncset.done $0x0  }
0x1e: {  	s19 =	simm.s32 $0x290;
	[sflag:s12] =	ssyncadd.s32 $0xFFFFFEC0  }
0x1f: {  	[tilespmem:s19], [sflag:$0x1] =	stream.indirect.gather [hbm4b:s2+s13], $0x40, s0, s13, $0xb8;
	[tilespmem:$0xA890] =	vst v63  }
0x20: {  	s17 =	simm.s32 $0x690  }
0x21: {  	[tilespmem:s17], [sflag:$0x1] =	stream.indirect.gather [hbm4b:s3+s16], $0x40, s13, s16, $0xb8;
	[tilespmem:$0xA890] =	vst v63  }
0x22: {  	s18 =	simm.s32 $0x5690  }
0x23: {  	[tilespmem:s18], [sflag:$0x1] =	stream.indirect.gather [hbm4b:s3+s16], $0x40, s14, s16, $0xb8;
	[tilespmem:$0xA890] =	vst v63  }
0x24: {  	s19 =	simm.s32 $0x90  }
0x25: {  	[tilespmem:s20], [sflag:$0x1] =	stream.indirect.gather [hbm4b:s3+s16], $0x40, s19, s16, $0xb8;
	[tilespmem:$0xA890] =	vst v63  }
0x26: {  	_ = 	snop  }
0x27: {  	[tilespmem:s22], [sflag:$0x1] =	stream.indirect.gather [hbm4b:s3+s16], $0x40, s21, s16, $0xb8;
	[tilespmem:$0xA890] =	vst v63  }
0x28: {  	_ = 	snop  }
0x29: {  	[tilespmem:s25], [sflag:$0x1] =	stream.indirect.gather [hbm4b:s3+s23], $0x40, s24, s23, $0xb8;
	[tilespmem:$0xA890] =	vst v63  }
0x2a: {  	_ = 	snop  }
0x2b: {  	[tilespmem:s28], [sflag:$0x1] =	stream.indirect.gather [hbm4b:s3+s23], $0x40, s26, s23, $0xb8;
	[tilespmem:$0xA890] =	vst v63  }
0x2c: {  	_ =	swait.ge [sflag:s29], $0x400  }
0x2d: {  	[sflag:s29] =	ssyncset.done $0x0  }
0x2e: {  	[sflag:s29] =	ssyncadd.s32 $0xFFFFFC00  }
0x2f: {  	_ =	swait.ge [sflag:s29], $0x2000  }
0x30: {  	[sflag:s29] =	ssyncset.done $0x0  }
0x31: {  	[sflag:s29] =	ssyncadd.s32 $0xFFFFE000  }
0x32: {  	_ =	swait.ge [sflag:s29], $0x2000  }
0x33: {  	[sflag:s29] =	ssyncset.done $0x0  }
0x34: {  	[sflag:s29] =	ssyncadd.s32 $0xFFFFE000  }
0x35: {  	_ =	swait.ge [sflag:s29], $0x2000  }
0x36: {  	[sflag:s29] =	ssyncset.done $0x0  }
0x37: {  	[sflag:s29] =	ssyncadd.s32 $0xFFFFE000  }
0x38: {  	_ =	swait.ge [sflag:s29], $0x2000  }
0x39: {  	[sflag:s29] =	ssyncset.done $0x0  }
0x3a: {  	[sflag:s29] =	ssyncadd.s32 $0xFFFFE000  }
0x3b: {  	_ =	swait.ge [sflag:s29], $0x1000  }
0x3c: {  	[sflag:s29] =	ssyncset.done $0x0  }
0x3d: {  	[sflag:s29] =	ssyncadd.s32 $0xFFFFF000  }
0x3e: {  	_ =	swait.ge [sflag:s29], $0x1000  }
0x3f: {  	s15 =	simm.s32 $0x2B0;
	[sflag:s29] =	ssyncset.done $0x0  }
0x40: {  	s17 =	simm.s32 $0x910;
	s18 =	simm.s32 $0x5910;
	[sflag:s29] =	ssyncadd.s32 $0xFFFFF000  }
.LBB2_3:
0x41: {  	v0 =	vld [tilespmem:s15+$0xFFFFFFE0]  }
0x42: {  	v1 =	vld [tilespmem:s15+$0xFFFFFFF0]  }
0x43: {  	v2 =	vld [tilespmem:s17+$0xFFFFFD80]  }
0x44: {  	v3 =	vld [tilespmem:s17+$0xFFFFFD90]  }
0x45: {  	v4 =	vld [tilespmem:s17+$0xFFFFFDA0]  }
0x46: {  	v5 =	vld [tilespmem:s17+$0xFFFFFDB0]  }
0x47: {  	v6 =	vld [tilespmem:s17+$0xFFFFFDC0]  }
0x48: {  	v7 =	vld [tilespmem:s17+$0xFFFFFDD0]  }
0x49: {  	v8 =	vld [tilespmem:s17+$0xFFFFFDE0]  }
0x4a: {  	v9 =	vld [tilespmem:s17+$0xFFFFFDF0]  }
0x4b: {  	v10 =	vld [tilespmem:s17+$0xFFFFFE00]  }
0x4c: {  	v11 =	vld [tilespmem:s17+$0xFFFFFE10]  }
0x4d: {  	v12 =	vld [tilespmem:s17+$0xFFFFFE20]  }
0x4e: {  	v13 =	vld [tilespmem:s17+$0xFFFFFE30]  }
0x4f: {  	v14 =	vld [tilespmem:s17+$0xFFFFFE40]  }
0x50: {  	v15 =	vld [tilespmem:s17+$0xFFFFFE50]  }
0x51: {  	v16 =	vld [tilespmem:s17+$0xFFFFFE60]  }
0x52: {  	v17 =	vld [tilespmem:s17+$0xFFFFFE70]  }
0x53: {  	v18 =	vld [tilespmem:s17+$0xFFFFFE80]  }
0x54: {  	v19 =	vld [tilespmem:s17+$0xFFFFFE90]  }
0x55: {  	v20 =	vld [tilespmem:s17+$0xFFFFFEA0]  }
0x56: {  	v21 =	vld [tilespmem:s17+$0xFFFFFEB0]  }
0x57: {  	v22 =	vld [tilespmem:s17+$0xFFFFFEC0]  }
0x58: {  	v23 =	vld [tilespmem:s17+$0xFFFFFED0]  }
0x59: {  	v24 =	vld [tilespmem:s17+$0xFFFFFEE0]  }
0x5a: {  	v25 =	vld [tilespmem:s17+$0xFFFFFEF0]  }
0x5b: {  	v26 =	vld [tilespmem:s17+$0xFFFFFF00]  }
0x5c: {  	v27 =	vld [tilespmem:s17+$0xFFFFFF10]  }
0x5d: {  	v28 =	vld [tilespmem:s17+$0xFFFFFF20]  }
0x5e: {  	v29 =	vld [tilespmem:s17+$0xFFFFFF30]  }
0x5f: {  	v30 =	vld [tilespmem:s17+$0xFFFFFF40]  }
0x60: {  	v31 =	vld [tilespmem:s17+$0xFFFFFF50]  }
0x61: {  	v32 =	vld [tilespmem:s17+$0xFFFFFF60]  }
0x62: {  	v33 =	vld [tilespmem:s17+$0xFFFFFF70]  }
0x63: {  	v34 =	vld [tilespmem:s17+$0xFFFFFF80]  }
0x64: {  	v35 =	vld [tilespmem:s17+$0xFFFFFF90]  }
0x65: {  	v36 =	vld [tilespmem:s17+$0xFFFFFFA0]  }
0x66: {  	v37 =	vld [tilespmem:s17+$0xFFFFFFB0]  }
0x67: {  	v38 =	vld [tilespmem:s17+$0xFFFFFFC0]  }
0x68: {  	v39 =	vld [tilespmem:s17+$0xFFFFFFD0]  }
0x69: {  	v40 =	vld [tilespmem:s17+$0xFFFFFFE0]  }
0x6a: {  	v41 =	vld [tilespmem:s17+$0xFFFFFFF0]  }
0x6b: {  	v42 =	vld [tilespmem:s17+$0x0]  }
0x6c: {  	v43 =	vld [tilespmem:s17+$0x10]  }
0x6d: {  	v44 =	vld [tilespmem:s17+$0x20]  }
0x6e: {  	v45 =	vld [tilespmem:s17+$0x30]  }
0x6f: {  	v46 =	vld [tilespmem:s17+$0x40]  }
0x70: {  	v53 =	vld [tilespmem:s17+$0x50];
	v2 =	vadd.f32 v6, v2;
	v3 =	vadd.f32 v7, v3  }
0x71: {  	v54 =	vld [tilespmem:s17+$0x60];
	v4 =	vadd.f32 v8, v4  }
0x72: {  	v55 =	vld [tilespmem:s17+$0x70];
	v2 =	vadd.f32 v10, v2;
	v3 =	vadd.f32 v11, v3  }
0x73: {  	v56 =	vld [tilespmem:s17+$0x80];
	v5 =	vadd.f32 v9, v5;
	v4 =	vadd.f32 v12, v4  }
0x74: {  	v57 =	vld [tilespmem:s17+$0x90];
	v2 =	vadd.f32 v14, v2;
	v3 =	vadd.f32 v15, v3  }
0x75: {  	v58 =	vld [tilespmem:s17+$0xA0];
	v5 =	vadd.f32 v13, v5;
	v4 =	vadd.f32 v16, v4  }
0x76: {  	v59 =	vld [tilespmem:s17+$0xB0];
	v2 =	vadd.f32 v18, v2;
	v3 =	vadd.f32 v19, v3  }
0x77: {  	v60 =	vld [tilespmem:s17+$0xC0];
	v5 =	vadd.f32 v17, v5;
	v4 =	vadd.f32 v20, v4  }
0x78: {  	v61 =	vld [tilespmem:s17+$0xD0];
	v2 =	vadd.f32 v22, v2;
	v3 =	vadd.f32 v23, v3  }
0x79: {  	v62 =	vld [tilespmem:s17+$0xE0];
	v5 =	vadd.f32 v21, v5;
	v4 =	vadd.f32 v24, v4  }
0x7a: {  	v63 =	vld [tilespmem:s17+$0xF0];
	v2 =	vadd.f32 v26, v2;
	v3 =	vadd.f32 v27, v3  }
0x7b: {  	v47 =	vld [tilespmem:s17+$0x220];
	v5 =	vadd.f32 v25, v5;
	v4 =	vadd.f32 v28, v4  }
0x7c: {  	v48 =	vld [tilespmem:s17+$0x240];
	v2 =	vadd.f32 v30, v2;
	v3 =	vadd.f32 v31, v3  }
0x7d: {  	v28 =	vld [tilespmem:s17+$0x100];
	v5 =	vadd.f32 v29, v5;
	v4 =	vadd.f32 v32, v4  }
0x7e: {  	v30 =	vld [tilespmem:s17+$0x110];
	v2 =	vadd.f32 v34, v2;
	v3 =	vadd.f32 v35, v3  }
0x7f: {  	v31 =	vld [tilespmem:s17+$0x120];
	v5 =	vadd.f32 v33, v5;
	v4 =	vadd.f32 v36, v4  }
0x80: {  	v32 =	vld [tilespmem:s17+$0x130];
	v2 =	vadd.f32 v38, v2;
	v3 =	vadd.f32 v39, v3  }
0x81: {  	v33 =	vld [tilespmem:s17+$0x140];
	v5 =	vadd.f32 v37, v5;
	v4 =	vadd.f32 v40, v4  }
0x82: {  	v34 =	vld [tilespmem:s17+$0x150];
	v2 =	vadd.f32 v42, v2;
	v3 =	vadd.f32 v43, v3  }
0x83: {  	v35 =	vld [tilespmem:s17+$0x160];
	v5 =	vadd.f32 v41, v5;
	v4 =	vadd.f32 v44, v4  }
0x84: {  	v36 =	vld [tilespmem:s17+$0x170];
	v2 =	vadd.f32 v46, v2;
	v3 =	vadd.f32 v53, v3  }
0x85: {  	v37 =	vld [tilespmem:s17+$0x180];
	v5 =	vadd.f32 v45, v5;
	v4 =	vadd.f32 v54, v4  }
0x86: {  	v38 =	vld [tilespmem:s17+$0x190];
	v2 =	vadd.f32 v56, v2;
	v3 =	vadd.f32 v57, v3  }
0x87: {  	v39 =	vld [tilespmem:s17+$0x1A0];
	v5 =	vadd.f32 v55, v5;
	v4 =	vadd.f32 v58, v4  }
0x88: {  	v40 =	vld [tilespmem:s17+$0x1B0];
	v2 =	vadd.f32 v60, v2;
	v3 =	vadd.f32 v61, v3  }
0x89: {  	v41 =	vld [tilespmem:s17+$0x1C0];
	v5 =	vadd.f32 v59, v5;
	v4 =	vadd.f32 v62, v4  }
0x8a: {  	v42 =	vld [tilespmem:s17+$0x1D0];
	v2 =	vadd.f32 v28, v2;
	v3 =	vadd.f32 v30, v3  }
0x8b: {  	v43 =	vld [tilespmem:s17+$0x1E0];
	v5 =	vadd.f32 v63, v5;
	v4 =	vadd.f32 v31, v4  }
0x8c: {  	v45 =	vld [tilespmem:s17+$0x200];
	v2 =	vadd.f32 v33, v2;
	v3 =	vadd.f32 v34, v3  }
0x8d: {  	v46 =	vld [tilespmem:s17+$0x210];
	v5 =	vadd.f32 v32, v5;
	v4 =	vadd.f32 v35, v4  }
0x8e: {  	v44 =	vld [tilespmem:s17+$0x1F0];
	v2 =	vadd.f32 v37, v2;
	v3 =	vadd.f32 v38, v3  }
0x8f: {  	v49 =	vld [tilespmem:s17+$0x250];
	v5 =	vadd.f32 v36, v5;
	v4 =	vadd.f32 v39, v4  }
0x90: {  	v50 =	vld [tilespmem:s17+$0x230];
	v8 =	vadd.f32 v41, v2;
	v3 =	vadd.f32 v42, v3  }
0x91: {  	v51 =	vld [tilespmem:s17+$0x260];
	v5 =	vadd.f32 v40, v5;
	v4 =	vadd.f32 v43, v4  }
0x92: {  	v52 =	vld [tilespmem:s17+$0x270];
	v8 =	vadd.f32 v45, v8;
	v3 =	vadd.f32 v46, v3  }
0x93: {  	v2 =	vld [tilespmem:s15+$0x0];
	v5 =	vadd.f32 v44, v5;
	v4 =	vadd.f32 v47, v4  }
0x94: {  	v6 =	vadd.f32 v48, v8;
	v7 =	vadd.f32 v49, v3  }
0x95: {  	v5 =	vadd.f32 v50, v5;
	v3 =	vld [tilespmem:s15+$0x10]  }
0x96: {  	v4 =	vadd.f32 v51, v4;
	v6 =	vmul.f32 v6, v0;
	v7 =	vmul.f32 v7, v1;
	_ =	sdelay $0x1  }
0x97: {  	v5 =	vadd.f32 v52, v5;
	v4 =	vmul.f32 v4, v2;
	v6 =	vadd.f32 v7, v6;
	_ =	sdelay $0x1  }
0x98: {  	v5 =	vmul.f32 v5, v3;
	v4 =	vadd.f32 v4, v6;
	_ =	sdelay $0x1  }
0x99: {  	v4 =	vadd.f32 v5, v4  }
0x9a: {  	s19 =	sshra.s32 s0, $0x2  }
0x9b: {  	[tilespmem:s19+$0xA690] =	vst v4  }
0x9c: {  	v4 =	vld [tilespmem:s18+$0xFFFFFD80]  }
0x9d: {  	v5 =	vld [tilespmem:s18+$0xFFFFFD90]  }
0x9e: {  	v6 =	vld [tilespmem:s18+$0xFFFFFDA0]  }
0x9f: {  	v7 =	vld [tilespmem:s18+$0xFFFFFDB0]  }
0xa0: {  	v8 =	vld [tilespmem:s18+$0xFFFFFDC0]  }
0xa1: {  	v53 =	vld [tilespmem:s18+$0xFFFFFDD0]  }
0xa2: {  	v54 =	vld [tilespmem:s18+$0xFFFFFDE0]  }
0xa3: {  	v11 =	vld [tilespmem:s18+$0xFFFFFDF0]  }
0xa4: {  	v12 =	vld [tilespmem:s18+$0xFFFFFE00]  }
0xa5: {  	v55 =	vld [tilespmem:s18+$0xFFFFFE10]  }
0xa6: {  	v56 =	vld [tilespmem:s18+$0xFFFFFE20]  }
0xa7: {  	v15 =	vld [tilespmem:s18+$0xFFFFFE30]  }
0xa8: {  	v16 =	vld [tilespmem:s18+$0xFFFFFE40]  }
0xa9: {  	v57 =	vld [tilespmem:s18+$0xFFFFFE50]  }
0xaa: {  	v58 =	vld [tilespmem:s18+$0xFFFFFE60]  }
0xab: {  	v19 =	vld [tilespmem:s18+$0xFFFFFE70]  }
0xac: {  	v20 =	vld [tilespmem:s18+$0xFFFFFE80]  }
0xad: {  	v59 =	vld [tilespmem:s18+$0xFFFFFE90]  }
0xae: {  	v60 =	vld [tilespmem:s18+$0xFFFFFEA0]  }
0xaf: {  	v23 =	vld [tilespmem:s18+$0xFFFFFEB0]  }
0xb0: {  	v24 =	vld [tilespmem:s18+$0xFFFFFEC0]  }
0xb1: {  	v61 =	vld [tilespmem:s18+$0xFFFFFED0]  }
0xb2: {  	v62 =	vld [tilespmem:s18+$0xFFFFFEE0]  }
0xb3: {  	v27 =	vld [tilespmem:s18+$0xFFFFFEF0]  }
0xb4: {  	v28 =	vld [tilespmem:s18+$0xFFFFFF00]  }
0xb5: {  	v63 =	vld [tilespmem:s18+$0xFFFFFF10]  }
0xb6: {  	v30 =	vld [tilespmem:s18+$0xFFFFFF20]  }
0xb7: {  	v31 =	vld [tilespmem:s18+$0xFFFFFF30]  }
0xb8: {  	v32 =	vld [tilespmem:s18+$0xFFFFFF40]  }
0xb9: {  	v33 =	vld [tilespmem:s18+$0xFFFFFF50]  }
0xba: {  	v34 =	vld [tilespmem:s18+$0xFFFFFF60]  }
0xbb: {  	v35 =	vld [tilespmem:s18+$0xFFFFFF70]  }
0xbc: {  	v36 =	vld [tilespmem:s18+$0xFFFFFF80]  }
0xbd: {  	v37 =	vld [tilespmem:s18+$0xFFFFFF90]  }
0xbe: {  	v38 =	vld [tilespmem:s18+$0xFFFFFFA0]  }
0xbf: {  	v39 =	vld [tilespmem:s18+$0xFFFFFFB0]  }
0xc0: {  	v40 =	vld [tilespmem:s18+$0xFFFFFFC0]  }
0xc1: {  	v41 =	vld [tilespmem:s18+$0xFFFFFFD0]  }
0xc2: {  	v42 =	vld [tilespmem:s18+$0xFFFFFFE0]  }
0xc3: {  	v43 =	vld [tilespmem:s18+$0xFFFFFFF0]  }
0xc4: {  	v44 =	vld [tilespmem:s18+$0x0]  }
0xc5: {  	v45 =	vld [tilespmem:s18+$0x10]  }
0xc6: {  	v52 =	vld [tilespmem:s18+$0x20]  }
0xc7: {  	v47 =	vld [tilespmem:s18+$0x30]  }
0xc8: {  	v48 =	vld [tilespmem:s18+$0x40]  }
0xc9: {  	v46 =	vld [tilespmem:s18+$0x190];
	v4 =	vadd.f32 v8, v4;
	v5 =	vadd.f32 v53, v5  }
0xca: {  	v49 =	vld [tilespmem:s18+$0x1C0];
	v6 =	vadd.f32 v54, v6  }
0xcb: {  	v50 =	vld [tilespmem:s18+$0x1D0];
	v4 =	vadd.f32 v12, v4;
	v5 =	vadd.f32 v55, v5  }
0xcc: {  	v51 =	vld [tilespmem:s18+$0x1E0];
	v7 =	vadd.f32 v11, v7;
	v6 =	vadd.f32 v56, v6  }
0xcd: {  	v53 =	vld [tilespmem:s18+$0x50];
	v4 =	vadd.f32 v16, v4;
	v5 =	vadd.f32 v57, v5  }
0xce: {  	v54 =	vld [tilespmem:s18+$0x60];
	v7 =	vadd.f32 v15, v7;
	v6 =	vadd.f32 v58, v6  }
0xcf: {  	v55 =	vld [tilespmem:s18+$0x70];
	v4 =	vadd.f32 v20, v4;
	v5 =	vadd.f32 v59, v5  }
0xd0: {  	v56 =	vld [tilespmem:s18+$0x80];
	v7 =	vadd.f32 v19, v7;
	v6 =	vadd.f32 v60, v6  }
0xd1: {  	v57 =	vld [tilespmem:s18+$0x90];
	v4 =	vadd.f32 v24, v4;
	v5 =	vadd.f32 v61, v5  }
0xd2: {  	v58 =	vld [tilespmem:s18+$0xA0];
	v7 =	vadd.f32 v23, v7;
	v6 =	vadd.f32 v62, v6  }
0xd3: {  	v59 =	vld [tilespmem:s18+$0xB0];
	v4 =	vadd.f32 v28, v4;
	v5 =	vadd.f32 v63, v5  }
0xd4: {  	v60 =	vld [tilespmem:s18+$0xC0];
	v7 =	vadd.f32 v27, v7;
	v6 =	vadd.f32 v30, v6  }
0xd5: {  	v61 =	vld [tilespmem:s18+$0xD0];
	v4 =	vadd.f32 v32, v4;
	v5 =	vadd.f32 v33, v5  }
0xd6: {  	v62 =	vld [tilespmem:s18+$0xE0];
	v7 =	vadd.f32 v31, v7;
	v6 =	vadd.f32 v34, v6  }
0xd7: {  	v63 =	vld [tilespmem:s18+$0xF0];
	v4 =	vadd.f32 v36, v4;
	v5 =	vadd.f32 v37, v5  }
0xd8: {  	v30 =	vld [tilespmem:s18+$0x100];
	v7 =	vadd.f32 v35, v7;
	v6 =	vadd.f32 v38, v6  }
0xd9: {  	v33 =	vld [tilespmem:s18+$0x110];
	v4 =	vadd.f32 v40, v4;
	v5 =	vadd.f32 v41, v5  }
0xda: {  	v34 =	vld [tilespmem:s18+$0x120];
	v7 =	vadd.f32 v39, v7;
	v6 =	vadd.f32 v42, v6  }
0xdb: {  	v37 =	vld [tilespmem:s18+$0x130];
	v4 =	vadd.f32 v44, v4;
	v5 =	vadd.f32 v45, v5  }
0xdc: {  	v38 =	vld [tilespmem:s18+$0x140];
	v7 =	vadd.f32 v43, v7;
	v6 =	vadd.f32 v52, v6  }
0xdd: {  	v41 =	vld [tilespmem:s18+$0x150];
	v4 =	vadd.f32 v48, v4;
	v5 =	vadd.f32 v53, v5  }
0xde: {  	v42 =	vld [tilespmem:s18+$0x160];
	v7 =	vadd.f32 v47, v7;
	v6 =	vadd.f32 v54, v6  }
0xdf: {  	v44 =	vld [tilespmem:s18+$0x170];
	v4 =	vadd.f32 v56, v4;
	v5 =	vadd.f32 v57, v5  }
0xe0: {  	v45 =	vld [tilespmem:s18+$0x180];
	v7 =	vadd.f32 v55, v7;
	v6 =	vadd.f32 v58, v6  }
0xe1: {  	v47 =	vld [tilespmem:s18+$0x1A0];
	v4 =	vadd.f32 v60, v4;
	v5 =	vadd.f32 v61, v5  }
0xe2: {  	v52 =	vld [tilespmem:s18+$0x1F0];
	v7 =	vadd.f32 v59, v7;
	v6 =	vadd.f32 v62, v6  }
0xe3: {  	v48 =	vld [tilespmem:s18+$0x1B0];
	v4 =	vadd.f32 v30, v4;
	v5 =	vadd.f32 v33, v5  }
0xe4: {  	v53 =	vld [tilespmem:s18+$0x200];
	v7 =	vadd.f32 v63, v7;
	v6 =	vadd.f32 v34, v6  }
0xe5: {  	v54 =	vld [tilespmem:s18+$0x210];
	v4 =	vadd.f32 v38, v4;
	v5 =	vadd.f32 v41, v5  }
0xe6: {  	v55 =	vld [tilespmem:s18+$0x220];
	v7 =	vadd.f32 v37, v7;
	v6 =	vadd.f32 v42, v6  }
0xe7: {  	v56 =	vld [tilespmem:s18+$0x240];
	v4 =	vadd.f32 v45, v4;
	v5 =	vadd.f32 v46, v5  }
0xe8: {  	v57 =	vld [tilespmem:s18+$0x250];
	v7 =	vadd.f32 v44, v7;
	v6 =	vadd.f32 v47, v6  }
0xe9: {  	v58 =	vld [tilespmem:s18+$0x230];
	v4 =	vadd.f32 v49, v4;
	v5 =	vadd.f32 v50, v5  }
0xea: {  	v59 =	vld [tilespmem:s18+$0x260];
	v7 =	vadd.f32 v48, v7;
	v6 =	vadd.f32 v51, v6  }
0xeb: {  	v4 =	vadd.f32 v53, v4;
	v5 =	vadd.f32 v54, v5  }
0xec: {  	v60 =	vld [tilespmem:s18+$0x270];
	v7 =	vadd.f32 v52, v7;
	v6 =	vadd.f32 v55, v6  }
0xed: {  	v4 =	vadd.f32 v56, v4;
	v5 =	vadd.f32 v57, v5  }
0xee: {  	v7 =	vadd.f32 v58, v7  }
0xef: {  	v6 =	vadd.f32 v59, v6;
	v0 =	vmul.f32 v4, v0;
	v1 =	vmul.f32 v5, v1;
	_ =	sdelay $0x1  }
0xf0: {  	v61 =	vadd.f32 v60, v7;
	v62 =	vmul.f32 v6, v2;
	v0 =	vadd.f32 v1, v0  }
0xf1: {  	p0 =	sne.s32 s0, $0x3C0  }
.Ltmp0:
0xf2: {  	v63 =	vmul.f32 v61, v3;
	v0 =	vadd.f32 v62, v0;
	(pc) =	sbr.rel @p0 .LBB2_3-.Ltmp0, $4  }
0xf3: {  	_ = 	snop  }
0xf4: {  	v0 =	vadd.f32 v63, v0  }
0xf5: {  	s0 =	sadd.s32 $0x40, s0  }
0xf6: {  	s17 =	sadd.s32 $0x500, s17;
	s15 =	sadd.s32 $0x40, s15;
	s18 =	sadd.s32 $0x500, s18;
	[tilespmem:s19+$0xA790] =	vst v0  }
0xf7: {  	s0 =	sshll.u32 s11, $0x1  }
0xf8: {  	s11 =	sadd.s32 s8, s0  }
0xf9: {  	[hbm4b:s11+s1] =	stream.linear.scatter [tilespmem:s30], [sflag:$0x2], $0x100, $0x38;
	[tilespmem:$0xA890] =	vst v63  }
0xfa: {  	s5 =	sadd.s32 $0x1, s5;
	_ =	swait.ge [sflag:s12], $0x100  }
0xfb: {  	p0 =	sne.s32 s5, $0x20;
	[sflag:s12] =	ssyncset.done $0x0  }
.Ltmp1:
0xfc: {  	s0 =	sadd.s32 s9, s0;
	[sflag:s12] =	ssyncadd.s32 $0xFFFFFF00;
	(pc) =	sbr.rel @p0 .LBB2_2-.Ltmp1, $4  }
0xfd: {  	[hbm4b:s0+s1] =	stream.linear.scatter [tilespmem:s31], [sflag:$0x2], $0x100, $0x38;
	[tilespmem:$0xA890] =	vst v63  }
0xfe: {  	_ =	swait.ge [sflag:s12], $0x100  }
0xff: {  	[sflag:s12] =	ssyncset.done $0x0  }
0x100: {  	[sflag:s12] =	ssyncadd.s32 $0xFFFFFF00  }
0x101: {  	s5 =	rddreg [dreg:$0x3]  }
0x102: {  	s0 =	rddreg [dreg:$0x2];
	s5 =	sadd.s32 $0x1, s5  }
0x103: {  	p0 =	sne.s32 s5, s0  }
.Ltmp2:
0x104: {  	_ = 	snop;
	(pc) =	sbr.rel @p0 .LBB2_1-.Ltmp2, $1  }
0x105: {  	_ =	sdelay $0x3  }
0x106: {  	_ =	sfence.sel $0x180000  }
0x107: {  	[bflag:$0x0] =	sbarrier.arrive $0xFFFF  }
0x108: {  	_ =	strace $0x90000047  }
0x109: {  	s0 =	stileid.u32;
	[bflag:$0x2] =	sbarrier.arrive $0xFFFF  }
0x10a: {  	p0 =	sne.s32 s0, $0x0;
	s0 =	rddreg [dreg:$0x1]  }
0x10b: {  	s0 =	sadd.s32 @!p0 $0x100000, s0  }
0x10c: {  	[sflag:s0] =	ssyncadd.tile.s32 @!p0 $0x1;
	_ =	shalt  }
.Lfunc_end2:
_tile_overlayer_lowered:
.L_overlay_start_2:
0x10d: {  	(tag) =	ssettag $0x2  }
0x10e: {  	s0 =	rddreg [dreg:$0x0];
	s2 =	stileid.u32  }
0x10f: {  	s1 =	rddreg [dreg:$0x1];
	p0 =	sne.s32 s2, $0x0  }
0x110: {  	s3 =	rddreg [dreg:$0x2];
	[bflag:$0x3] =	sbarrier.arrive $0xFFFF;
	s2 =	simm.s32 @!p0 $0x1C02  }
0x111: {  	[timem:s3], [sflag:s2] =	dma.local @!p0 [hbm:s0], s1  }
0x112: {  	s0 =	simm.s32 @!p0 $0x2  }
0x113: {  	_ =	swait.ge @!p0 [sflag:s0], s1  }
0x114: {  	s1 =	ssub.s32 @!p0 $0x0, s1;
	[sflag:s0] =	ssyncset.done @!p0 $0x0  }
0x115: {  	[sflag:s0] =	ssyncadd.s32 @!p0 s1  }
0x116: {  	[bflag:$0x3] =	sbarrier.arrive $0xFFFF  }
0x117: {  	_ =	shalt  }

</sc_bundles>
